<compile_context>
chip_gen: v7x
topology: tpu7x:2x2x1
jax: 0.10.2.dev20260603
libtpu: 0.0.44.dev20260713+nightly
codegen_flags: <defaults>
</compile_context>

<pallas_src>
import functools

import jax
import jax.numpy as jnp
from jax import lax
from jax.experimental import pallas as pl
from jax.experimental.pallas import tpu as pltpu
from jax.experimental.pallas import tpu_sc as plsc

_OFFS = [(-1, 1), (0, 1), (1, 1), (1, 0), (1, -1), (0, -1), (-1, -1), (-1, 0)]

_B, _H, _W = 8, 512, 512
_NPIX = _B * _H * _W

_NC, _NS, _L = 2, 16, 16
_NW = _NC * _NS
_CHUNK = _NPIX // _NW
_HBINS = 256
_HSIZE = _L * _HBINS


def _codes_body(img_ref, codes_ref, pad_ref, ua_ref, ca_ref, da_ref):
    r = img_ref[0, 0]
    g = img_ref[0, 1]
    b = img_ref[0, 2]
    gray = 0.299 * r + 0.587 * g + 0.114 * b
    grayb = gray.astype(jnp.bfloat16)
    zb = jnp.bfloat16(0)
    pad_ref[0:1, :] = jnp.full((1, _W + 2), zb)
    pad_ref[_H + 1:_H + 2, :] = jnp.full((1, _W + 2), zb)
    pad_ref[:, 0:1] = jnp.full((_H + 2, 1), zb)
    pad_ref[:, _W + 1:_W + 2] = jnp.full((_H + 2, 1), zb)
    pad_ref[1:_H + 1, 1:_W + 1] = grayb
    ua_ref[...] = pad_ref[0:_H, :]
    ca_ref[:, 0:1] = jnp.full((_H, 1), zb)
    ca_ref[:, _W + 1:_W + 2] = jnp.full((_H, 1), zb)
    ca_ref[:, 1:_W + 1] = grayb
    da_ref[...] = pad_ref[2:_H + 2, :]
    rows = {-1: ua_ref, 0: ca_ref, 1: da_ref}
    acc = jnp.zeros((_H, _W), jnp.bfloat16)
    for i, (dr, dc) in enumerate(_OFFS):
        nb = rows[dr][:, 1 + dc:_W + 1 + dc]
        acc = acc + jnp.where(nb >= grayb, jnp.bfloat16(1 << i), zb)
    col = lax.broadcasted_iota(jnp.int32, (_H, _W), 1)
    code = acc.astype(jnp.float32).astype(jnp.int32)
    codes_ref[0] = (code << 4) + (col & (_L - 1))


def _compute_codes(img):
    nb = img.shape[0]
    return pl.pallas_call(
        _codes_body,
        grid=(nb,),
        in_specs=[pl.BlockSpec((1, 3, _H, _W), lambda b: (b, 0, 0, 0))],
        out_specs=pl.BlockSpec((1, _H, _W), lambda b: (b, 0, 0)),
        out_shape=jax.ShapeDtypeStruct((nb, _H, _W), jnp.int32),
        scratch_shapes=[
            pltpu.VMEM((_H + 2, _W + 2), jnp.bfloat16),
            pltpu.VMEM((_H, _W + 2), jnp.bfloat16),
            pltpu.VMEM((_H, _W + 2), jnp.bfloat16),
            pltpu.VMEM((_H, _W + 2), jnp.bfloat16),
        ],
        compiler_params=pltpu.CompilerParams(
            dimension_semantics=("parallel",)),
    )(img)


_ROWS_PER_TILE = _B * _H // _NW


def _sc_hist_body(codes_hbm, out_hbm, codes_v, h_a, h_b, h_c, h_d, sem0, sem1):
    wid = lax.axis_index("s") * _NC + lax.axis_index("c")
    tiles_per_b = _H // _ROWS_PER_TILE
    b = wid // tiles_per_b
    r0 = (wid % tiles_per_b) * _ROWS_PER_TILE
    half = _ROWS_PER_TILE // 2
    cp0 = pltpu.async_copy(
        codes_hbm.at[b, pl.ds(r0, half), :], codes_v.at[pl.ds(0, half), :], sem0)
    cp1 = pltpu.async_copy(
        codes_hbm.at[b, pl.ds(r0 + half, half), :],
        codes_v.at[pl.ds(half, half), :], sem1)

    zero = jnp.zeros((_L,), jnp.float32)
    hists = [h_a, h_b, h_c, h_d]

    @plsc.parallel_loop(0, _HSIZE // _L)
    def _(i):
        sl = pl.ds(i * _L, _L)
        for h in hists:
            h[sl] = zero

    ones = jnp.ones((_L,), jnp.float32)

    def row_body(r):
        for j in range(_W // _L):
            c16 = codes_v[r, pl.ds(j * _L, _L)]
            plsc.addupdate_scatter(hists[j % 4], [c16], ones)

    cp0.wait()
    plsc.parallel_loop(0, half, unroll=2)(row_body)
    cp1.wait()
    plsc.parallel_loop(half, _ROWS_PER_TILE, unroll=2)(row_body)

    @plsc.parallel_loop(0, _HSIZE // _L)
    def _(i):
        sl = pl.ds(i * _L, _L)
        h_a[sl] = (h_a[sl] + h_b[sl]) + (h_c[sl] + h_d[sl])

    pltpu.sync_copy(h_a, out_hbm.at[wid])


@functools.cache
def _sc_hist():
    return pl.kernel(
        _sc_hist_body,
        out_type=jax.ShapeDtypeStruct((_NW, _HSIZE), jnp.float32),
        mesh=plsc.VectorSubcoreMesh(
            core_axis_name="c", subcore_axis_name="s",
            num_cores=_NC, num_subcores=_NS,
        ),
        scratch_types=[
            pltpu.VMEM((_ROWS_PER_TILE, _W), jnp.int32),
            pltpu.VMEM((_HSIZE,), jnp.float32),
            pltpu.VMEM((_HSIZE,), jnp.float32),
            pltpu.VMEM((_HSIZE,), jnp.float32),
            pltpu.VMEM((_HSIZE,), jnp.float32),
            pltpu.SemaphoreType.DMA,
            pltpu.SemaphoreType.DMA,
        ],
        compiler_params=pltpu.CompilerParams(needs_layout_passes=False),
    )


def _finalize_body(parts_ref, out_ref):
    counts = jnp.sum(parts_ref[...], axis=(0, 2)).reshape(1, _HBINS)
    mean = jnp.mean(counts)
    var = jnp.sum((counts - mean) ** 2) / jnp.float32(_HBINS - 1)
    out_ref[...] = (counts - mean) * lax.rsqrt(var)


def _finalize(parts):
    return pl.pallas_call(
        _finalize_body,
        out_shape=jax.ShapeDtypeStruct((1, _HBINS), jnp.float32),
    )(parts)


def _run(img):
    codes = _compute_codes(img)
    parts = _sc_hist()(codes)
    return _finalize(parts.reshape(_NW, _HBINS, _L))


@jax.jit
def kernel(img, lbp_weight, kernel_weight):
    return _run(img)

# --- scband reference (transcript-rebuilt; emitter-appended) ---
"""Pipeline reference for scband-lbpkernel-28638841930409 (READ-ONLY COPY).

The authoritative reference and input builder live on the scoring server;
editing this copy changes nothing except your own understanding.
"""

import jax, jax.numpy as jnp
import numpy as np


def _lbp_weights():
    # Faithful copy of the hardcoded 8x1x3x3 LBP difference kernels
    w = np.zeros((8, 1, 3, 3), dtype=np.float32)
    offsets = [(0, 2), (1, 2), (2, 2), (2, 1), (2, 0), (1, 0), (0, 0), (0, 1)]
    for i, (r, c) in enumerate(offsets):
        w[i, 0, r, c] = 1.0
        w[i, 0, 1, 1] = -1.0
    return jnp.asarray(w)


def setup_inputs(seed: int = 0) -> dict:
    key = jax.random.key(seed)
    img = jax.random.uniform(key, (8, 3, 512, 512), dtype=jnp.float32)
    kernel_weight = jnp.asarray([1, 2, 4, 8, 16, 32, 64, 128], dtype=jnp.float32).reshape(1, 8, 1, 1)
    return {"img": img, "lbp_weight": _lbp_weights(), "kernel_weight": kernel_weight}


def reference(img, lbp_weight, kernel_weight):
    # rgb2gray (standard luminance weights)
    rgb_w = jnp.array([0.299, 0.587, 0.114], dtype=img.dtype).reshape(1, 3, 1, 1)
    gray = jnp.sum(img * rgb_w, axis=1, keepdims=True)  # [B,1,H,W]
    # Conv2d(1, 8, k=3, stride=1, padding=1, bias=False)
    out = jax.lax.conv_general_dilated(
        gray, lbp_weight,
        window_strides=(1, 1),
        padding=((1, 1), (1, 1)),
        dimension_numbers=("NCHW", "OIHW", "NCHW"),
    )
    out = jnp.where(out >= 0.0, 1.0, 0.0)
    out = out * kernel_weight
    lbp_img = jnp.sum(out, axis=1)  # [B,H,W], integer-valued floats in [0,255]
    # Histogram over 256 codes across the whole batch (matches the python loop
    # lbp_hist[0,i] = count(i == lbp_img)) -- implemented as a bincount scatter-add.
    codes = jax.lax.stop_gradient(lbp_img).astype(jnp.int32).reshape(-1)
    counts = jnp.bincount(codes, length=256).astype(jnp.float32)
    lbp_hist = counts.reshape(1, 256)
    mean = jnp.mean(lbp_hist, axis=1, keepdims=True)
    std = jnp.std(lbp_hist, axis=1, keepdims=True, ddof=1)  # torch.std is unbiased
    lbp_hist = (lbp_hist - mean) / std
    return lbp_hist

if __name__ == "__main__":
    import jax
    _d = setup_inputs()
    print(jax.jit(kernel)(*tuple(_d.values())))

</pallas_src>

<mosaic_0001>
#map = affine_map<(d0, d1) -> (0, 0, 0)>
#map1 = affine_map<(d0, d1) -> (0, 0)>
module attributes {stable_mosaic.version = 14 : i64} {
  func.func @_sc_hist_body(%arg0: i32, %arg1: i32, %arg2: memref<8x512x512xi32, #tpu.memory_space<hbm>>, %arg3: memref<32x4096xf32, #tpu.memory_space<hbm>>, %arg4: memref<128x512xi32, #tpu.memory_space<vmem>>, %arg5: memref<4096xf32, #tpu.memory_space<vmem>>, %arg6: memref<4096xf32, #tpu.memory_space<vmem>>, %arg7: memref<4096xf32, #tpu.memory_space<vmem>>, %arg8: memref<4096xf32, #tpu.memory_space<vmem>>, %arg9: memref<!tpu.dma_semaphore, #tpu.memory_space<semaphore_mem>>, %arg10: memref<!tpu.dma_semaphore, #tpu.memory_space<semaphore_mem>>) attributes {dimension_semantics = [#tpu.dimension_semantics<core_parallel>, #tpu.dimension_semantics<subcore_parallel>], iteration_bounds = array<i64: 2, 16>, scalar_prefetch = 0 : i64, scratch_operands = 7 : i64, tpu.core_type = #tpu.core_type<sc_vector_subcore>, window_params = [{transform_indices = #map}, {transform_indices = #map1}]} {
    %mul3A = arith.constant 2 : i32
    %mul3A_0 = arith.muli %arg1, %mul3A : i32
    %add3A = arith.addi %mul3A_0, %arg0 : i32
    %jit3A = arith.constant 4 : i32
    %div3A = arith.divsi %add3A, %jit3A : i32
    %sign3A = arith.constant 0 : i32
    %sign3A_1 = arith.cmpi sgt, %add3A, %sign3A : i32
    %sign3A_2 = arith.extui %sign3A_1 : i1 to i32
    %sign3A_3 = arith.constant 0 : i32
    %sign3A_4 = arith.cmpi slt, %add3A, %sign3A_3 : i32
    %sign3A_5 = arith.extui %sign3A_4 : i1 to i32
    %sign3A_6 = arith.subi %sign3A_2, %sign3A_5 : i32
    %sign3A_7 = arith.constant 0 : i32
    %sign3A_8 = arith.cmpi sgt, %jit3A, %sign3A_7 : i32
    %sign3A_9 = arith.extui %sign3A_8 : i1 to i32
    %sign3A_10 = arith.constant 0 : i32
    %sign3A_11 = arith.cmpi slt, %jit3A, %sign3A_10 : i32
    %sign3A_12 = arith.extui %sign3A_11 : i1 to i32
    %sign3A_13 = arith.subi %sign3A_9, %sign3A_12 : i32
    %ne3A = arith.cmpi ne, %sign3A_6, %sign3A_13 : i32
    %rem3A = arith.remsi %add3A, %jit3A : i32
    %ne3A_14 = arith.constant 0 : i32
    %ne3A_15 = arith.cmpi ne, %rem3A, %ne3A_14 : i32
    %and3A = arith.andi %ne3A, %ne3A_15 : i1
    %sub3A = arith.constant 1 : i32
    %sub3A_16 = arith.subi %div3A, %sub3A : i32
    %select_n3A = arith.select %and3A, %sub3A_16, %div3A : i32
    %jit3A_17 = arith.constant 4 : i32
    %eq3A = arith.constant 0 : i32
    %eq3A_18 = arith.cmpi eq, %jit3A_17, %eq3A : i32
    %jit3A_19 = arith.constant 1 : i32
    %select_n3A_20 = arith.select %eq3A_18, %jit3A_19, %jit3A_17 : i32
    %rem3A_21 = arith.remsi %add3A, %select_n3A_20 : i32
    %ne3A_22 = arith.constant 0 : i32
    %ne3A_23 = arith.cmpi ne, %rem3A_21, %ne3A_22 : i32
    %lt3A = arith.constant 0 : i32
    %lt3A_24 = arith.cmpi slt, %rem3A_21, %lt3A : i32
    %lt3A_25 = arith.constant 0 : i32
    %lt3A_26 = arith.cmpi slt, %select_n3A_20, %lt3A_25 : i32
    %ne3A_27 = arith.xori %lt3A_24, %lt3A_26 : i1
    %and3A_28 = arith.andi %ne3A_27, %ne3A_23 : i1
    %add3A_29 = arith.addi %rem3A_21, %select_n3A_20 : i32
    %select_n3A_30 = arith.select %and3A_28, %add3A_29, %rem3A_21 : i32
    %mul3A_31 = arith.constant 128 : i32
    %mul3A_32 = arith.muli %select_n3A_30, %mul3A_31 : i32
    %dma_start3A = arith.constant 0 : i32
    %dma_start3A_33 = arith.constant 0 : i32
    %dma_start3A_34 = tpu.memref_slice %arg4[%dma_start3A, %dma_start3A_33] : memref<128x512xi32, #tpu.memory_space<vmem>> -> memref<64x512xi32, #tpu.memory_space<vmem>>
    %dma_start3A_35 = arith.constant 0 : i32
    %dma_start3A_36 = tpu.memref_slice %arg2[%select_n3A, %mul3A_32, %dma_start3A_35] : memref<8x512x512xi32, #tpu.memory_space<hbm>> -> memref<1x64x512xi32, #tpu.memory_space<hbm>>
    %dma_start3A_37 = tpu.memref_squeeze %dma_start3A_36 : memref<1x64x512xi32, #tpu.memory_space<hbm>> -> memref<64x512xi32, #tpu.memory_space<hbm>>
    %dma_start3A_38 = arith.constant 0 : i32
    %dma_start3A_39 = arith.constant 0 : i32
    %dma_start3A_40 = tpu.memref_slice %arg4[%dma_start3A_38, %dma_start3A_39] : memref<128x512xi32, #tpu.memory_space<vmem>> -> memref<64x512xi32, #tpu.memory_space<vmem>>
    %dma_start3A_41 = arith.constant 0 : i32
    %dma_start3A_42 = tpu.memref_slice %arg2[%select_n3A, %mul3A_32, %dma_start3A_41] : memref<8x512x512xi32, #tpu.memory_space<hbm>> -> memref<1x64x512xi32, #tpu.memory_space<hbm>>
    %dma_start3A_43 = tpu.memref_squeeze %dma_start3A_42 : memref<1x64x512xi32, #tpu.memory_space<hbm>> -> memref<64x512xi32, #tpu.memory_space<hbm>>
    tpu.enqueue_dma source(%dma_start3A_43 : memref<64x512xi32, #tpu.memory_space<hbm>>) target(%dma_start3A_40 : memref<64x512xi32, #tpu.memory_space<vmem>>) target_semaphore(%arg9 : memref<!tpu.dma_semaphore, #tpu.memory_space<semaphore_mem>>)
    %add3A_44 = arith.constant 64 : i32
    %add3A_45 = arith.addi %mul3A_32, %add3A_44 : i32
    %dma_start3A_46 = arith.constant 64 : i32
    %dma_start3A_47 = arith.constant 0 : i32
    %dma_start3A_48 = tpu.memref_slice %arg4[%dma_start3A_46, %dma_start3A_47] : memref<128x512xi32, #tpu.memory_space<vmem>> -> memref<64x512xi32, #tpu.memory_space<vmem>>
    %dma_start3A_49 = arith.constant 0 : i32
    %dma_start3A_50 = tpu.memref_slice %arg2[%select_n3A, %add3A_45, %dma_start3A_49] : memref<8x512x512xi32, #tpu.memory_space<hbm>> -> memref<1x64x512xi32, #tpu.memory_space<hbm>>
    %dma_start3A_51 = tpu.memref_squeeze %dma_start3A_50 : memref<1x64x512xi32, #tpu.memory_space<hbm>> -> memref<64x512xi32, #tpu.memory_space<hbm>>
    %dma_start3A_52 = arith.constant 64 : i32
    %dma_start3A_53 = arith.constant 0 : i32
    %dma_start3A_54 = tpu.memref_slice %arg4[%dma_start3A_52, %dma_start3A_53] : memref<128x512xi32, #tpu.memory_space<vmem>> -> memref<64x512xi32, #tpu.memory_space<vmem>>
    %dma_start3A_55 = arith.constant 0 : i32
    %dma_start3A_56 = tpu.memref_slice %arg2[%select_n3A, %add3A_45, %dma_start3A_55] : memref<8x512x512xi32, #tpu.memory_space<hbm>> -> memref<1x64x512xi32, #tpu.memory_space<hbm>>
    %dma_start3A_57 = tpu.memref_squeeze %dma_start3A_56 : memref<1x64x512xi32, #tpu.memory_space<hbm>> -> memref<64x512xi32, #tpu.memory_space<hbm>>
    tpu.enqueue_dma source(%dma_start3A_57 : memref<64x512xi32, #tpu.memory_space<hbm>>) target(%dma_start3A_54 : memref<64x512xi32, #tpu.memory_space<vmem>>) target_semaphore(%arg10 : memref<!tpu.dma_semaphore, #tpu.memory_space<semaphore_mem>>)
    %broadcast_in_dim3A = arith.constant 0.000000e+00 : f32
    %broadcast_in_dim3A_58 = vector.broadcast %broadcast_in_dim3A : f32 to vector<16xf32>
    %parallel_loop3A = arith.constant 0 : i32
    %parallel_loop3A_59 = arith.constant 256 : i32
    %parallel_loop3A_60 = arith.constant 1 : i32
    scf.for %parallel_loop3A_95 = %parallel_loop3A to %parallel_loop3A_59 step %parallel_loop3A_60  : i32 {
      %parallel_loop3A_96 = arith.constant 16 : i32
      %parallel_loop3A_97 = arith.muli %parallel_loop3A_95, %parallel_loop3A_96 : i32
      %parallel_loop3A_98 = arith.index_cast %parallel_loop3A_97 : i32 to index
      %parallel_loop3A_99 = tpu.vector_load %arg5[%parallel_loop3A_98] {strides = array<i32>} : memref<4096xf32, #tpu.memory_space<vmem>>, vector<16xf32>,
      tpu.vector_store %arg5[%parallel_loop3A_98], %broadcast_in_dim3A_58 {strides = array<i32>} : memref<4096xf32, #tpu.memory_space<vmem>>, vector<16xf32>,
      %parallel_loop3A_100 = arith.index_cast %parallel_loop3A_97 : i32 to index
      %parallel_loop3A_101 = tpu.vector_load %arg6[%parallel_loop3A_100] {strides = array<i32>} : memref<4096xf32, #tpu.memory_space<vmem>>, vector<16xf32>,
      tpu.vector_store %arg6[%parallel_loop3A_100], %broadcast_in_dim3A_58 {strides = array<i32>} : memref<4096xf32, #tpu.memory_space<vmem>>, vector<16xf32>,
      %parallel_loop3A_102 = arith.index_cast %parallel_loop3A_97 : i32 to index
      %parallel_loop3A_103 = tpu.vector_load %arg7[%parallel_loop3A_102] {strides = array<i32>} : memref<4096xf32, #tpu.memory_space<vmem>>, vector<16xf32>,
      tpu.vector_store %arg7[%parallel_loop3A_102], %broadcast_in_dim3A_58 {strides = array<i32>} : memref<4096xf32, #tpu.memory_space<vmem>>, vector<16xf32>,
      %parallel_loop3A_104 = arith.index_cast %parallel_loop3A_97 : i32 to index
      %parallel_loop3A_105 = tpu.vector_load %arg8[%parallel_loop3A_104] {strides = array<i32>} : memref<4096xf32, #tpu.memory_space<vmem>>, vector<16xf32>,
      tpu.vector_store %arg8[%parallel_loop3A_104], %broadcast_in_dim3A_58 {strides = array<i32>} : memref<4096xf32, #tpu.memory_space<vmem>>, vector<16xf32>,
    } {sc.loop_unroll_factor = 1 : i64, sc.parallel_access}
    %broadcast_in_dim3A_61 = arith.constant 1.000000e+00 : f32
    %broadcast_in_dim3A_62 = vector.broadcast %broadcast_in_dim3A_61 : f32 to vector<16xf32>
    %dma_wait3A = arith.constant 0 : i32
    %dma_wait3A_63 = arith.constant 0 : i32
    %dma_wait3A_64 = tpu.memref_slice %arg4[%dma_wait3A, %dma_wait3A_63] : memref<128x512xi32, #tpu.memory_space<vmem>> -> memref<64x512xi32, #tpu.memory_space<vmem>>
    %dma_wait3A_65 = arith.constant 0 : i32
    %dma_wait3A_66 = tpu.memref_slice %arg2[%select_n3A, %mul3A_32, %dma_wait3A_65] : memref<8x512x512xi32, #tpu.memory_space<hbm>> -> memref<1x64x512xi32, #tpu.memory_space<hbm>>
    %dma_wait3A_67 = tpu.memref_squeeze %dma_wait3A_66 : memref<1x64x512xi32, #tpu.memory_space<hbm>> -> memref<64x512xi32, #tpu.memory_space<hbm>>
    %dma_wait3A_68 = arith.constant 0 : i32
    %dma_wait3A_69 = arith.constant 0 : i32
    %dma_wait3A_70 = tpu.memref_slice %arg4[%dma_wait3A_68, %dma_wait3A_69] : memref<128x512xi32, #tpu.memory_space<vmem>> -> memref<64x512xi32, #tpu.memory_space<vmem>>
    %dma_wait3A_71 = arith.constant 0 : i32
    %dma_wait3A_72 = tpu.memref_slice %arg2[%select_n3A, %mul3A_32, %dma_wait3A_71] : memref<8x512x512xi32, #tpu.memory_space<hbm>> -> memref<1x64x512xi32, #tpu.memory_space<hbm>>
    %dma_wait3A_73 = tpu.memref_squeeze %dma_wait3A_72 : memref<1x64x512xi32, #tpu.memory_space<hbm>> -> memref<64x512xi32, #tpu.memory_space<hbm>>
    tpu.wait_dma2 semaphore(%arg9 : memref<!tpu.dma_semaphore, #tpu.memory_space<semaphore_mem>>) src(%dma_wait3A_73 : memref<64x512xi32, #tpu.memory_space<hbm>>) dst(%dma_wait3A_70 : memref<64x512xi32, #tpu.memory_space<vmem>>)
    %parallel_loop3A_74 = arith.constant 0 : i32
    %parallel_loop3A_75 = arith.constant 64 : i32
    %parallel_loop3A_76 = arith.constant 1 : i32
    scf.for %parallel_loop3A_95 = %parallel_loop3A_74 to %parallel_loop3A_75 step %parallel_loop3A_76  : i32 {
      %parallel_loop3A_96 = arith.index_cast %parallel_loop3A_95 : i32 to index
      %parallel_loop3A_97 = arith.constant 0 : index
      %parallel_loop3A_98 = tpu.vector_load %arg4[%parallel_loop3A_96, %parallel_loop3A_97] {strides = array<i32>} : memref<128x512xi32, #tpu.memory_space<vmem>>, vector<16xi32>,
      tpu.vector_store_idx %arg5[%parallel_loop3A_98], %broadcast_in_dim3A_62 {add = true} : memref<4096xf32, #tpu.memory_space<vmem>>[vector<16xi32>], vector<16xf32>,
      %parallel_loop3A_99 = arith.index_cast %parallel_loop3A_95 : i32 to index
      %parallel_loop3A_100 = arith.constant 16 : index
      %parallel_loop3A_101 = tpu.vector_load %arg4[%parallel_loop3A_99, %parallel_loop3A_100] {strides = array<i32>} : memref<128x512xi32, #tpu.memory_space<vmem>>, vector<16xi32>,
      tpu.vector_store_idx %arg6[%parallel_loop3A_101], %broadcast_in_dim3A_62 {add = true} : memref<4096xf32, #tpu.memory_space<vmem>>[vector<16xi32>], vector<16xf32>,
      %parallel_loop3A_102 = arith.index_cast %parallel_loop3A_95 : i32 to index
      %parallel_loop3A_103 = arith.constant 32 : index
      %parallel_loop3A_104 = tpu.vector_load %arg4[%parallel_loop3A_102, %parallel_loop3A_103] {strides = array<i32>} : memref<128x512xi32, #tpu.memory_space<vmem>>, vector<16xi32>,
      tpu.vector_store_idx %arg7[%parallel_loop3A_104], %broadcast_in_dim3A_62 {add = true} : memref<4096xf32, #tpu.memory_space<vmem>>[vector<16xi32>], vector<16xf32>,
      %parallel_loop3A_105 = arith.index_cast %parallel_loop3A_95 : i32 to index
      %parallel_loop3A_106 = arith.constant 48 : index
      %parallel_loop3A_107 = tpu.vector_load %arg4[%parallel_loop3A_105, %parallel_loop3A_106] {strides = array<i32>} : memref<128x512xi32, #tpu.memory_space<vmem>>, vector<16xi32>,
      tpu.vector_store_idx %arg8[%parallel_loop3A_107], %broadcast_in_dim3A_62 {add = true} : memref<4096xf32, #tpu.memory_space<vmem>>[vector<16xi32>], vector<16xf32>,
      %parallel_loop3A_108 = arith.index_cast %parallel_loop3A_95 : i32 to index
      %parallel_loop3A_109 = arith.constant 64 : index
      %parallel_loop3A_110 = tpu.vector_load %arg4[%parallel_loop3A_108, %parallel_loop3A_109] {strides = array<i32>} : memref<128x512xi32, #tpu.memory_space<vmem>>, vector<16xi32>,
      tpu.vector_store_idx %arg5[%parallel_loop3A_110], %broadcast_in_dim3A_62 {add = true} : memref<4096xf32, #tpu.memory_space<vmem>>[vector<16xi32>], vector<16xf32>,
      %parallel_loop3A_111 = arith.index_cast %parallel_loop3A_95 : i32 to index
      %parallel_loop3A_112 = arith.constant 80 : index
      %parallel_loop3A_113 = tpu.vector_load %arg4[%parallel_loop3A_111, %parallel_loop3A_112] {strides = array<i32>} : memref<128x512xi32, #tpu.memory_space<vmem>>, vector<16xi32>,
      tpu.vector_store_idx %arg6[%parallel_loop3A_113], %broadcast_in_dim3A_62 {add = true} : memref<4096xf32, #tpu.memory_space<vmem>>[vector<16xi32>], vector<16xf32>,
      %parallel_loop3A_114 = arith.index_cast %parallel_loop3A_95 : i32 to index
      %parallel_loop3A_115 = arith.constant 96 : index
      %parallel_loop3A_116 = tpu.vector_load %arg4[%parallel_loop3A_114, %parallel_loop3A_115] {strides = array<i32>} : memref<128x512xi32, #tpu.memory_space<vmem>>, vector<16xi32>,
      tpu.vector_store_idx %arg7[%parallel_loop3A_116], %broadcast_in_dim3A_62 {add = true} : memref<4096xf32, #tpu.memory_space<vmem>>[vector<16xi32>], vector<16xf32>,
      %parallel_loop3A_117 = arith.index_cast %parallel_loop3A_95 : i32 to index
      %parallel_loop3A_118 = arith.constant 112 : index
      %parallel_loop3A_119 = tpu.vector_load %arg4[%parallel_loop3A_117, %parallel_loop3A_118] {strides = array<i32>} : memref<128x512xi32, #tpu.memory_space<vmem>>, vector<16xi32>,
      tpu.vector_store_idx %arg8[%parallel_loop3A_119], %broadcast_in_dim3A_62 {add = true} : memref<4096xf32, #tpu.memory_space<vmem>>[vector<16xi32>], vector<16xf32>,
      %parallel_loop3A_120 = arith.index_cast %parallel_loop3A_95 : i32 to index
      %parallel_loop3A_121 = arith.constant 128 : index
      %parallel_loop3A_122 = tpu.vector_load %arg4[%parallel_loop3A_120, %parallel_loop3A_121] {strides = array<i32>} : memref<128x512xi32, #tpu.memory_space<vmem>>, vector<16xi32>,
      tpu.vector_store_idx %arg5[%parallel_loop3A_122], %broadcast_in_dim3A_62 {add = true} : memref<4096xf32, #tpu.memory_space<vmem>>[vector<16xi32>], vector<16xf32>,
      %parallel_loop3A_123 = arith.index_cast %parallel_loop3A_95 : i32 to index
      %parallel_loop3A_124 = arith.constant 144 : index
      %parallel_loop3A_125 = tpu.vector_load %arg4[%parallel_loop3A_123, %parallel_loop3A_124] {strides = array<i32>} : memref<128x512xi32, #tpu.memory_space<vmem>>, vector<16xi32>,
      tpu.vector_store_idx %arg6[%parallel_loop3A_125], %broadcast_in_dim3A_62 {add = true} : memref<4096xf32, #tpu.memory_space<vmem>>[vector<16xi32>], vector<16xf32>,
      %parallel_loop3A_126 = arith.index_cast %parallel_loop3A_95 : i32 to index
      %parallel_loop3A_127 = arith.constant 160 : index
      %parallel_loop3A_128 = tpu.vector_load %arg4[%parallel_loop3A_126, %parallel_loop3A_127] {strides = array<i32>} : memref<128x512xi32, #tpu.memory_space<vmem>>, vector<16xi32>,
      tpu.vector_store_idx %arg7[%parallel_loop3A_128], %broadcast_in_dim3A_62 {add = true} : memref<4096xf32, #tpu.memory_space<vmem>>[vector<16xi32>], vector<16xf32>,
      %parallel_loop3A_129 = arith.index_cast %parallel_loop3A_95 : i32 to index
      %parallel_loop3A_130 = arith.constant 176 : index
      %parallel_loop3A_131 = tpu.vector_load %arg4[%parallel_loop3A_129, %parallel_loop3A_130] {strides = array<i32>} : memref<128x512xi32, #tpu.memory_space<vmem>>, vector<16xi32>,
      tpu.vector_store_idx %arg8[%parallel_loop3A_131], %broadcast_in_dim3A_62 {add = true} : memref<4096xf32, #tpu.memory_space<vmem>>[vector<16xi32>], vector<16xf32>,
      %parallel_loop3A_132 = arith.index_cast %parallel_loop3A_95 : i32 to index
      %parallel_loop3A_133 = arith.constant 192 : index
      %parallel_loop3A_134 = tpu.vector_load %arg4[%parallel_loop3A_132, %parallel_loop3A_133] {strides = array<i32>} : memref<128x512xi32, #tpu.memory_space<vmem>>, vector<16xi32>,
      tpu.vector_store_idx %arg5[%parallel_loop3A_134], %broadcast_in_dim3A_62 {add = true} : memref<4096xf32, #tpu.memory_space<vmem>>[vector<16xi32>], vector<16xf32>,
      %parallel_loop3A_135 = arith.index_cast %parallel_loop3A_95 : i32 to index
      %parallel_loop3A_136 = arith.constant 208 : index
      %parallel_loop3A_137 = tpu.vector_load %arg4[%parallel_loop3A_135, %parallel_loop3A_136] {strides = array<i32>} : memref<128x512xi32, #tpu.memory_space<vmem>>, vector<16xi32>,
      tpu.vector_store_idx %arg6[%parallel_loop3A_137], %broadcast_in_dim3A_62 {add = true} : memref<4096xf32, #tpu.memory_space<vmem>>[vector<16xi32>], vector<16xf32>,
      %parallel_loop3A_138 = arith.index_cast %parallel_loop3A_95 : i32 to index
      %parallel_loop3A_139 = arith.constant 224 : index
      %parallel_loop3A_140 = tpu.vector_load %arg4[%parallel_loop3A_138, %parallel_loop3A_139] {strides = array<i32>} : memref<128x512xi32, #tpu.memory_space<vmem>>, vector<16xi32>,
      tpu.vector_store_idx %arg7[%parallel_loop3A_140], %broadcast_in_dim3A_62 {add = true} : memref<4096xf32, #tpu.memory_space<vmem>>[vector<16xi32>], vector<16xf32>,
      %parallel_loop3A_141 = arith.index_cast %parallel_loop3A_95 : i32 to index
      %parallel_loop3A_142 = arith.constant 240 : index
      %parallel_loop3A_143 = tpu.vector_load %arg4[%parallel_loop3A_141, %parallel_loop3A_142] {strides = array<i32>} : memref<128x512xi32, #tpu.memory_space<vmem>>, vector<16xi32>,
      tpu.vector_store_idx %arg8[%parallel_loop3A_143], %broadcast_in_dim3A_62 {add = true} : memref<4096xf32, #tpu.memory_space<vmem>>[vector<16xi32>], vector<16xf32>,
      %parallel_loop3A_144 = arith.index_cast %parallel_loop3A_95 : i32 to index
      %parallel_loop3A_145 = arith.constant 256 : index
      %parallel_loop3A_146 = tpu.vector_load %arg4[%parallel_loop3A_144, %parallel_loop3A_145] {strides = array<i32>} : memref<128x512xi32, #tpu.memory_space<vmem>>, vector<16xi32>,
      tpu.vector_store_idx %arg5[%parallel_loop3A_146], %broadcast_in_dim3A_62 {add = true} : memref<4096xf32, #tpu.memory_space<vmem>>[vector<16xi32>], vector<16xf32>,
      %parallel_loop3A_147 = arith.index_cast %parallel_loop3A_95 : i32 to index
      %parallel_loop3A_148 = arith.constant 272 : index
      %parallel_loop3A_149 = tpu.vector_load %arg4[%parallel_loop3A_147, %parallel_loop3A_148] {strides = array<i32>} : memref<128x512xi32, #tpu.memory_space<vmem>>, vector<16xi32>,
      tpu.vector_store_idx %arg6[%parallel_loop3A_149], %broadcast_in_dim3A_62 {add = true} : memref<4096xf32, #tpu.memory_space<vmem>>[vector<16xi32>], vector<16xf32>,
      %parallel_loop3A_150 = arith.index_cast %parallel_loop3A_95 : i32 to index
      %parallel_loop3A_151 = arith.constant 288 : index
      %parallel_loop3A_152 = tpu.vector_load %arg4[%parallel_loop3A_150, %parallel_loop3A_151] {strides = array<i32>} : memref<128x512xi32, #tpu.memory_space<vmem>>, vector<16xi32>,
      tpu.vector_store_idx %arg7[%parallel_loop3A_152], %broadcast_in_dim3A_62 {add = true} : memref<4096xf32, #tpu.memory_space<vmem>>[vector<16xi32>], vector<16xf32>,
      %parallel_loop3A_153 = arith.index_cast %parallel_loop3A_95 : i32 to index
      %parallel_loop3A_154 = arith.constant 304 : index
      %parallel_loop3A_155 = tpu.vector_load %arg4[%parallel_loop3A_153, %parallel_loop3A_154] {strides = array<i32>} : memref<128x512xi32, #tpu.memory_space<vmem>>, vector<16xi32>,
      tpu.vector_store_idx %arg8[%parallel_loop3A_155], %broadcast_in_dim3A_62 {add = true} : memref<4096xf32, #tpu.memory_space<vmem>>[vector<16xi32>], vector<16xf32>,
      %parallel_loop3A_156 = arith.index_cast %parallel_loop3A_95 : i32 to index
      %parallel_loop3A_157 = arith.constant 320 : index
      %parallel_loop3A_158 = tpu.vector_load %arg4[%parallel_loop3A_156, %parallel_loop3A_157] {strides = array<i32>} : memref<128x512xi32, #tpu.memory_space<vmem>>, vector<16xi32>,
      tpu.vector_store_idx %arg5[%parallel_loop3A_158], %broadcast_in_dim3A_62 {add = true} : memref<4096xf32, #tpu.memory_space<vmem>>[vector<16xi32>], vector<16xf32>,
      %parallel_loop3A_159 = arith.index_cast %parallel_loop3A_95 : i32 to index
      %parallel_loop3A_160 = arith.constant 336 : index
      %parallel_loop3A_161 = tpu.vector_load %arg4[%parallel_loop3A_159, %parallel_loop3A_160] {strides = array<i32>} : memref<128x512xi32, #tpu.memory_space<vmem>>, vector<16xi32>,
      tpu.vector_store_idx %arg6[%parallel_loop3A_161], %broadcast_in_dim3A_62 {add = true} : memref<4096xf32, #tpu.memory_space<vmem>>[vector<16xi32>], vector<16xf32>,
      %parallel_loop3A_162 = arith.index_cast %parallel_loop3A_95 : i32 to index
      %parallel_loop3A_163 = arith.constant 352 : index
      %parallel_loop3A_164 = tpu.vector_load %arg4[%parallel_loop3A_162, %parallel_loop3A_163] {strides = array<i32>} : memref<128x512xi32, #tpu.memory_space<vmem>>, vector<16xi32>,
      tpu.vector_store_idx %arg7[%parallel_loop3A_164], %broadcast_in_dim3A_62 {add = true} : memref<4096xf32, #tpu.memory_space<vmem>>[vector<16xi32>], vector<16xf32>,
      %parallel_loop3A_165 = arith.index_cast %parallel_loop3A_95 : i32 to index
      %parallel_loop3A_166 = arith.constant 368 : index
      %parallel_loop3A_167 = tpu.vector_load %arg4[%parallel_loop3A_165, %parallel_loop3A_166] {strides = array<i32>} : memref<128x512xi32, #tpu.memory_space<vmem>>, vector<16xi32>,
      tpu.vector_store_idx %arg8[%parallel_loop3A_167], %broadcast_in_dim3A_62 {add = true} : memref<4096xf32, #tpu.memory_space<vmem>>[vector<16xi32>], vector<16xf32>,
      %parallel_loop3A_168 = arith.index_cast %parallel_loop3A_95 : i32 to index
      %parallel_loop3A_169 = arith.constant 384 : index
      %parallel_loop3A_170 = tpu.vector_load %arg4[%parallel_loop3A_168, %parallel_loop3A_169] {strides = array<i32>} : memref<128x512xi32, #tpu.memory_space<vmem>>, vector<16xi32>,
      tpu.vector_store_idx %arg5[%parallel_loop3A_170], %broadcast_in_dim3A_62 {add = true} : memref<4096xf32, #tpu.memory_space<vmem>>[vector<16xi32>], vector<16xf32>,
      %parallel_loop3A_171 = arith.index_cast %parallel_loop3A_95 : i32 to index
      %parallel_loop3A_172 = arith.constant 400 : index
      %parallel_loop3A_173 = tpu.vector_load %arg4[%parallel_loop3A_171, %parallel_loop3A_172] {strides = array<i32>} : memref<128x512xi32, #tpu.memory_space<vmem>>, vector<16xi32>,
      tpu.vector_store_idx %arg6[%parallel_loop3A_173], %broadcast_in_dim3A_62 {add = true} : memref<4096xf32, #tpu.memory_space<vmem>>[vector<16xi32>], vector<16xf32>,
      %parallel_loop3A_174 = arith.index_cast %parallel_loop3A_95 : i32 to index
      %parallel_loop3A_175 = arith.constant 416 : index
      %parallel_loop3A_176 = tpu.vector_load %arg4[%parallel_loop3A_174, %parallel_loop3A_175] {strides = array<i32>} : memref<128x512xi32, #tpu.memory_space<vmem>>, vector<16xi32>,
      tpu.vector_store_idx %arg7[%parallel_loop3A_176], %broadcast_in_dim3A_62 {add = true} : memref<4096xf32, #tpu.memory_space<vmem>>[vector<16xi32>], vector<16xf32>,
      %parallel_loop3A_177 = arith.index_cast %parallel_loop3A_95 : i32 to index
      %parallel_loop3A_178 = arith.constant 432 : index
      %parallel_loop3A_179 = tpu.vector_load %arg4[%parallel_loop3A_177, %parallel_loop3A_178] {strides = array<i32>} : memref<128x512xi32, #tpu.memory_space<vmem>>, vector<16xi32>,
      tpu.vector_store_idx %arg8[%parallel_loop3A_179], %broadcast_in_dim3A_62 {add = true} : memref<4096xf32, #tpu.memory_space<vmem>>[vector<16xi32>], vector<16xf32>,
      %parallel_loop3A_180 = arith.index_cast %parallel_loop3A_95 : i32 to index
      %parallel_loop3A_181 = arith.constant 448 : index
      %parallel_loop3A_182 = tpu.vector_load %arg4[%parallel_loop3A_180, %parallel_loop3A_181] {strides = array<i32>} : memref<128x512xi32, #tpu.memory_space<vmem>>, vector<16xi32>,
      tpu.vector_store_idx %arg5[%parallel_loop3A_182], %broadcast_in_dim3A_62 {add = true} : memref<4096xf32, #tpu.memory_space<vmem>>[vector<16xi32>], vector<16xf32>,
      %parallel_loop3A_183 = arith.index_cast %parallel_loop3A_95 : i32 to index
      %parallel_loop3A_184 = arith.constant 464 : index
      %parallel_loop3A_185 = tpu.vector_load %arg4[%parallel_loop3A_183, %parallel_loop3A_184] {strides = array<i32>} : memref<128x512xi32, #tpu.memory_space<vmem>>, vector<16xi32>,
      tpu.vector_store_idx %arg6[%parallel_loop3A_185], %broadcast_in_dim3A_62 {add = true} : memref<4096xf32, #tpu.memory_space<vmem>>[vector<16xi32>], vector<16xf32>,
      %parallel_loop3A_186 = arith.index_cast %parallel_loop3A_95 : i32 to index
      %parallel_loop3A_187 = arith.constant 480 : index
      %parallel_loop3A_188 = tpu.vector_load %arg4[%parallel_loop3A_186, %parallel_loop3A_187] {strides = array<i32>} : memref<128x512xi32, #tpu.memory_space<vmem>>, vector<16xi32>,
      tpu.vector_store_idx %arg7[%parallel_loop3A_188], %broadcast_in_dim3A_62 {add = true} : memref<4096xf32, #tpu.memory_space<vmem>>[vector<16xi32>], vector<16xf32>,
      %parallel_loop3A_189 = arith.index_cast %parallel_loop3A_95 : i32 to index
      %parallel_loop3A_190 = arith.constant 496 : index
      %parallel_loop3A_191 = tpu.vector_load %arg4[%parallel_loop3A_189, %parallel_loop3A_190] {strides = array<i32>} : memref<128x512xi32, #tpu.memory_space<vmem>>, vector<16xi32>,
      tpu.vector_store_idx %arg8[%parallel_loop3A_191], %broadcast_in_dim3A_62 {add = true} : memref<4096xf32, #tpu.memory_space<vmem>>[vector<16xi32>], vector<16xf32>,
    } {sc.loop_unroll_factor = 2 : i64, sc.parallel_access}
    %dma_wait3A_77 = arith.constant 64 : i32
    %dma_wait3A_78 = arith.constant 0 : i32
    %dma_wait3A_79 = tpu.memref_slice %arg4[%dma_wait3A_77, %dma_wait3A_78] : memref<128x512xi32, #tpu.memory_space<vmem>> -> memref<64x512xi32, #tpu.memory_space<vmem>>
    %dma_wait3A_80 = arith.constant 0 : i32
    %dma_wait3A_81 = tpu.memref_slice %arg2[%select_n3A, %add3A_45, %dma_wait3A_80] : memref<8x512x512xi32, #tpu.memory_space<hbm>> -> memref<1x64x512xi32, #tpu.memory_space<hbm>>
    %dma_wait3A_82 = tpu.memref_squeeze %dma_wait3A_81 : memref<1x64x512xi32, #tpu.memory_space<hbm>> -> memref<64x512xi32, #tpu.memory_space<hbm>>
    %dma_wait3A_83 = arith.constant 64 : i32
    %dma_wait3A_84 = arith.constant 0 : i32
    %dma_wait3A_85 = tpu.memref_slice %arg4[%dma_wait3A_83, %dma_wait3A_84] : memref<128x512xi32, #tpu.memory_space<vmem>> -> memref<64x512xi32, #tpu.memory_space<vmem>>
    %dma_wait3A_86 = arith.constant 0 : i32
    %dma_wait3A_87 = tpu.memref_slice %arg2[%select_n3A, %add3A_45, %dma_wait3A_86] : memref<8x512x512xi32, #tpu.memory_space<hbm>> -> memref<1x64x512xi32, #tpu.memory_space<hbm>>
    %dma_wait3A_88 = tpu.memref_squeeze %dma_wait3A_87 : memref<1x64x512xi32, #tpu.memory_space<hbm>> -> memref<64x512xi32, #tpu.memory_space<hbm>>
    tpu.wait_dma2 semaphore(%arg10 : memref<!tpu.dma_semaphore, #tpu.memory_space<semaphore_mem>>) src(%dma_wait3A_88 : memref<64x512xi32, #tpu.memory_space<hbm>>) dst(%dma_wait3A_85 : memref<64x512xi32, #tpu.memory_space<vmem>>)
    %parallel_loop3A_89 = arith.constant 64 : i32
    %parallel_loop3A_90 = arith.constant 128 : i32
    %parallel_loop3A_91 = arith.constant 1 : i32
    scf.for %parallel_loop3A_95 = %parallel_loop3A_89 to %parallel_loop3A_90 step %parallel_loop3A_91  : i32 {
      %parallel_loop3A_96 = arith.index_cast %parallel_loop3A_95 : i32 to index
      %parallel_loop3A_97 = arith.constant 0 : index
      %parallel_loop3A_98 = tpu.vector_load %arg4[%parallel_loop3A_96, %parallel_loop3A_97] {strides = array<i32>} : memref<128x512xi32, #tpu.memory_space<vmem>>, vector<16xi32>,
      tpu.vector_store_idx %arg5[%parallel_loop3A_98], %broadcast_in_dim3A_62 {add = true} : memref<4096xf32, #tpu.memory_space<vmem>>[vector<16xi32>], vector<16xf32>,
      %parallel_loop3A_99 = arith.index_cast %parallel_loop3A_95 : i32 to index
      %parallel_loop3A_100 = arith.constant 16 : index
      %parallel_loop3A_101 = tpu.vector_load %arg4[%parallel_loop3A_99, %parallel_loop3A_100] {strides = array<i32>} : memref<128x512xi32, #tpu.memory_space<vmem>>, vector<16xi32>,
      tpu.vector_store_idx %arg6[%parallel_loop3A_101], %broadcast_in_dim3A_62 {add = true} : memref<4096xf32, #tpu.memory_space<vmem>>[vector<16xi32>], vector<16xf32>,
      %parallel_loop3A_102 = arith.index_cast %parallel_loop3A_95 : i32 to index
      %parallel_loop3A_103 = arith.constant 32 : index
      %parallel_loop3A_104 = tpu.vector_load %arg4[%parallel_loop3A_102, %parallel_loop3A_103] {strides = array<i32>} : memref<128x512xi32, #tpu.memory_space<vmem>>, vector<16xi32>,
      tpu.vector_store_idx %arg7[%parallel_loop3A_104], %broadcast_in_dim3A_62 {add = true} : memref<4096xf32, #tpu.memory_space<vmem>>[vector<16xi32>], vector<16xf32>,
      %parallel_loop3A_105 = arith.index_cast %parallel_loop3A_95 : i32 to index
      %parallel_loop3A_106 = arith.constant 48 : index
      %parallel_loop3A_107 = tpu.vector_load %arg4[%parallel_loop3A_105, %parallel_loop3A_106] {strides = array<i32>} : memref<128x512xi32, #tpu.memory_space<vmem>>, vector<16xi32>,
      tpu.vector_store_idx %arg8[%parallel_loop3A_107], %broadcast_in_dim3A_62 {add = true} : memref<4096xf32, #tpu.memory_space<vmem>>[vector<16xi32>], vector<16xf32>,
      %parallel_loop3A_108 = arith.index_cast %parallel_loop3A_95 : i32 to index
      %parallel_loop3A_109 = arith.constant 64 : index
      %parallel_loop3A_110 = tpu.vector_load %arg4[%parallel_loop3A_108, %parallel_loop3A_109] {strides = array<i32>} : memref<128x512xi32, #tpu.memory_space<vmem>>, vector<16xi32>,
      tpu.vector_store_idx %arg5[%parallel_loop3A_110], %broadcast_in_dim3A_62 {add = true} : memref<4096xf32, #tpu.memory_space<vmem>>[vector<16xi32>], vector<16xf32>,
      %parallel_loop3A_111 = arith.index_cast %parallel_loop3A_95 : i32 to index
      %parallel_loop3A_112 = arith.constant 80 : index
      %parallel_loop3A_113 = tpu.vector_load %arg4[%parallel_loop3A_111, %parallel_loop3A_112] {strides = array<i32>} : memref<128x512xi32, #tpu.memory_space<vmem>>, vector<16xi32>,
      tpu.vector_store_idx %arg6[%parallel_loop3A_113], %broadcast_in_dim3A_62 {add = true} : memref<4096xf32, #tpu.memory_space<vmem>>[vector<16xi32>], vector<16xf32>,
      %parallel_loop3A_114 = arith.index_cast %parallel_loop3A_95 : i32 to index
      %parallel_loop3A_115 = arith.constant 96 : index
      %parallel_loop3A_116 = tpu.vector_load %arg4[%parallel_loop3A_114, %parallel_loop3A_115] {strides = array<i32>} : memref<128x512xi32, #tpu.memory_space<vmem>>, vector<16xi32>,
      tpu.vector_store_idx %arg7[%parallel_loop3A_116], %broadcast_in_dim3A_62 {add = true} : memref<4096xf32, #tpu.memory_space<vmem>>[vector<16xi32>], vector<16xf32>,
      %parallel_loop3A_117 = arith.index_cast %parallel_loop3A_95 : i32 to index
      %parallel_loop3A_118 = arith.constant 112 : index
      %parallel_loop3A_119 = tpu.vector_load %arg4[%parallel_loop3A_117, %parallel_loop3A_118] {strides = array<i32>} : memref<128x512xi32, #tpu.memory_space<vmem>>, vector<16xi32>,
      tpu.vector_store_idx %arg8[%parallel_loop3A_119], %broadcast_in_dim3A_62 {add = true} : memref<4096xf32, #tpu.memory_space<vmem>>[vector<16xi32>], vector<16xf32>,
      %parallel_loop3A_120 = arith.index_cast %parallel_loop3A_95 : i32 to index
      %parallel_loop3A_121 = arith.constant 128 : index
      %parallel_loop3A_122 = tpu.vector_load %arg4[%parallel_loop3A_120, %parallel_loop3A_121] {strides = array<i32>} : memref<128x512xi32, #tpu.memory_space<vmem>>, vector<16xi32>,
      tpu.vector_store_idx %arg5[%parallel_loop3A_122], %broadcast_in_dim3A_62 {add = true} : memref<4096xf32, #tpu.memory_space<vmem>>[vector<16xi32>], vector<16xf32>,
      %parallel_loop3A_123 = arith.index_cast %parallel_loop3A_95 : i32 to index
      %parallel_loop3A_124 = arith.constant 144 : index
      %parallel_loop3A_125 = tpu.vector_load %arg4[%parallel_loop3A_123, %parallel_loop3A_124] {strides = array<i32>} : memref<128x512xi32, #tpu.memory_space<vmem>>, vector<16xi32>,
      tpu.vector_store_idx %arg6[%parallel_loop3A_125], %broadcast_in_dim3A_62 {add = true} : memref<4096xf32, #tpu.memory_space<vmem>>[vector<16xi32>], vector<16xf32>,
      %parallel_loop3A_126 = arith.index_cast %parallel_loop3A_95 : i32 to index
      %parallel_loop3A_127 = arith.constant 160 : index
      %parallel_loop3A_128 = tpu.vector_load %arg4[%parallel_loop3A_126, %parallel_loop3A_127] {strides = array<i32>} : memref<128x512xi32, #tpu.memory_space<vmem>>, vector<16xi32>,
      tpu.vector_store_idx %arg7[%parallel_loop3A_128], %broadcast_in_dim3A_62 {add = true} : memref<4096xf32, #tpu.memory_space<vmem>>[vector<16xi32>], vector<16xf32>,
      %parallel_loop3A_129 = arith.index_cast %parallel_loop3A_95 : i32 to index
      %parallel_loop3A_130 = arith.constant 176 : index
      %parallel_loop3A_131 = tpu.vector_load %arg4[%parallel_loop3A_129, %parallel_loop3A_130] {strides = array<i32>} : memref<128x512xi32, #tpu.memory_space<vmem>>, vector<16xi32>,
      tpu.vector_store_idx %arg8[%parallel_loop3A_131], %broadcast_in_dim3A_62 {add = true} : memref<4096xf32, #tpu.memory_space<vmem>>[vector<16xi32>], vector<16xf32>,
      %parallel_loop3A_132 = arith.index_cast %parallel_loop3A_95 : i32 to index
      %parallel_loop3A_133 = arith.constant 192 : index
      %parallel_loop3A_134 = tpu.vector_load %arg4[%parallel_loop3A_132, %parallel_loop3A_133] {strides = array<i32>} : memref<128x512xi32, #tpu.memory_space<vmem>>, vector<16xi32>,
      tpu.vector_store_idx %arg5[%parallel_loop3A_134], %broadcast_in_dim3A_62 {add = true} : memref<4096xf32, #tpu.memory_space<vmem>>[vector<16xi32>], vector<16xf32>,
      %parallel_loop3A_135 = arith.index_cast %parallel_loop3A_95 : i32 to index
      %parallel_loop3A_136 = arith.constant 208 : index
      %parallel_loop3A_137 = tpu.vector_load %arg4[%parallel_loop3A_135, %parallel_loop3A_136] {strides = array<i32>} : memref<128x512xi32, #tpu.memory_space<vmem>>, vector<16xi32>,
      tpu.vector_store_idx %arg6[%parallel_loop3A_137], %broadcast_in_dim3A_62 {add = true} : memref<4096xf32, #tpu.memory_space<vmem>>[vector<16xi32>], vector<16xf32>,
      %parallel_loop3A_138 = arith.index_cast %parallel_loop3A_95 : i32 to index
      %parallel_loop3A_139 = arith.constant 224 : index
      %parallel_loop3A_140 = tpu.vector_load %arg4[%parallel_loop3A_138, %parallel_loop3A_139] {strides = array<i32>} : memref<128x512xi32, #tpu.memory_space<vmem>>, vector<16xi32>,
      tpu.vector_store_idx %arg7[%parallel_loop3A_140], %broadcast_in_dim3A_62 {add = true} : memref<4096xf32, #tpu.memory_space<vmem>>[vector<16xi32>], vector<16xf32>,
      %parallel_loop3A_141 = arith.index_cast %parallel_loop3A_95 : i32 to index
      %parallel_loop3A_142 = arith.constant 240 : index
      %parallel_loop3A_143 = tpu.vector_load %arg4[%parallel_loop3A_141, %parallel_loop3A_142] {strides = array<i32>} : memref<128x512xi32, #tpu.memory_space<vmem>>, vector<16xi32>,
      tpu.vector_store_idx %arg8[%parallel_loop3A_143], %broadcast_in_dim3A_62 {add = true} : memref<4096xf32, #tpu.memory_space<vmem>>[vector<16xi32>], vector<16xf32>,
      %parallel_loop3A_144 = arith.index_cast %parallel_loop3A_95 : i32 to index
      %parallel_loop3A_145 = arith.constant 256 : index
      %parallel_loop3A_146 = tpu.vector_load %arg4[%parallel_loop3A_144, %parallel_loop3A_145] {strides = array<i32>} : memref<128x512xi32, #tpu.memory_space<vmem>>, vector<16xi32>,
      tpu.vector_store_idx %arg5[%parallel_loop3A_146], %broadcast_in_dim3A_62 {add = true} : memref<4096xf32, #tpu.memory_space<vmem>>[vector<16xi32>], vector<16xf32>,
      %parallel_loop3A_147 = arith.index_cast %parallel_loop3A_95 : i32 to index
      %parallel_loop3A_148 = arith.constant 272 : index
      %parallel_loop3A_149 = tpu.vector_load %arg4[%parallel_loop3A_147, %parallel_loop3A_148] {strides = array<i32>} : memref<128x512xi32, #tpu.memory_space<vmem>>, vector<16xi32>,
      tpu.vector_store_idx %arg6[%parallel_loop3A_149], %broadcast_in_dim3A_62 {add = true} : memref<4096xf32, #tpu.memory_space<vmem>>[vector<16xi32>], vector<16xf32>,
      %parallel_loop3A_150 = arith.index_cast %parallel_loop3A_95 : i32 to index
      %parallel_loop3A_151 = arith.constant 288 : index
      %parallel_loop3A_152 = tpu.vector_load %arg4[%parallel_loop3A_150, %parallel_loop3A_151] {strides = array<i32>} : memref<128x512xi32, #tpu.memory_space<vmem>>, vector<16xi32>,
      tpu.vector_store_idx %arg7[%parallel_loop3A_152], %broadcast_in_dim3A_62 {add = true} : memref<4096xf32, #tpu.memory_space<vmem>>[vector<16xi32>], vector<16xf32>,
      %parallel_loop3A_153 = arith.index_cast %parallel_loop3A_95 : i32 to index
      %parallel_loop3A_154 = arith.constant 304 : index
      %parallel_loop3A_155 = tpu.vector_load %arg4[%parallel_loop3A_153, %parallel_loop3A_154] {strides = array<i32>} : memref<128x512xi32, #tpu.memory_space<vmem>>, vector<16xi32>,
      tpu.vector_store_idx %arg8[%parallel_loop3A_155], %broadcast_in_dim3A_62 {add = true} : memref<4096xf32, #tpu.memory_space<vmem>>[vector<16xi32>], vector<16xf32>,
      %parallel_loop3A_156 = arith.index_cast %parallel_loop3A_95 : i32 to index
      %parallel_loop3A_157 = arith.constant 320 : index
      %parallel_loop3A_158 = tpu.vector_load %arg4[%parallel_loop3A_156, %parallel_loop3A_157] {strides = array<i32>} : memref<128x512xi32, #tpu.memory_space<vmem>>, vector<16xi32>,
      tpu.vector_store_idx %arg5[%parallel_loop3A_158], %broadcast_in_dim3A_62 {add = true} : memref<4096xf32, #tpu.memory_space<vmem>>[vector<16xi32>], vector<16xf32>,
      %parallel_loop3A_159 = arith.index_cast %parallel_loop3A_95 : i32 to index
      %parallel_loop3A_160 = arith.constant 336 : index
      %parallel_loop3A_161 = tpu.vector_load %arg4[%parallel_loop3A_159, %parallel_loop3A_160] {strides = array<i32>} : memref<128x512xi32, #tpu.memory_space<vmem>>, vector<16xi32>,
      tpu.vector_store_idx %arg6[%parallel_loop3A_161], %broadcast_in_dim3A_62 {add = true} : memref<4096xf32, #tpu.memory_space<vmem>>[vector<16xi32>], vector<16xf32>,
      %parallel_loop3A_162 = arith.index_cast %parallel_loop3A_95 : i32 to index
      %parallel_loop3A_163 = arith.constant 352 : index
      %parallel_loop3A_164 = tpu.vector_load %arg4[%parallel_loop3A_162, %parallel_loop3A_163] {strides = array<i32>} : memref<128x512xi32, #tpu.memory_space<vmem>>, vector<16xi32>,
      tpu.vector_store_idx %arg7[%parallel_loop3A_164], %broadcast_in_dim3A_62 {add = true} : memref<4096xf32, #tpu.memory_space<vmem>>[vector<16xi32>], vector<16xf32>,
      %parallel_loop3A_165 = arith.index_cast %parallel_loop3A_95 : i32 to index
      %parallel_loop3A_166 = arith.constant 368 : index
      %parallel_loop3A_167 = tpu.vector_load %arg4[%parallel_loop3A_165, %parallel_loop3A_166] {strides = array<i32>} : memref<128x512xi32, #tpu.memory_space<vmem>>, vector<16xi32>,
      tpu.vector_store_idx %arg8[%parallel_loop3A_167], %broadcast_in_dim3A_62 {add = true} : memref<4096xf32, #tpu.memory_space<vmem>>[vector<16xi32>], vector<16xf32>,
      %parallel_loop3A_168 = arith.index_cast %parallel_loop3A_95 : i32 to index
      %parallel_loop3A_169 = arith.constant 384 : index
      %parallel_loop3A_170 = tpu.vector_load %arg4[%parallel_loop3A_168, %parallel_loop3A_169] {strides = array<i32>} : memref<128x512xi32, #tpu.memory_space<vmem>>, vector<16xi32>,
      tpu.vector_store_idx %arg5[%parallel_loop3A_170], %broadcast_in_dim3A_62 {add = true} : memref<4096xf32, #tpu.memory_space<vmem>>[vector<16xi32>], vector<16xf32>,
      %parallel_loop3A_171 = arith.index_cast %parallel_loop3A_95 : i32 to index
      %parallel_loop3A_172 = arith.constant 400 : index
      %parallel_loop3A_173 = tpu.vector_load %arg4[%parallel_loop3A_171, %parallel_loop3A_172] {strides = array<i32>} : memref<128x512xi32, #tpu.memory_space<vmem>>, vector<16xi32>,
      tpu.vector_store_idx %arg6[%parallel_loop3A_173], %broadcast_in_dim3A_62 {add = true} : memref<4096xf32, #tpu.memory_space<vmem>>[vector<16xi32>], vector<16xf32>,
      %parallel_loop3A_174 = arith.index_cast %parallel_loop3A_95 : i32 to index
      %parallel_loop3A_175 = arith.constant 416 : index
      %parallel_loop3A_176 = tpu.vector_load %arg4[%parallel_loop3A_174, %parallel_loop3A_175] {strides = array<i32>} : memref<128x512xi32, #tpu.memory_space<vmem>>, vector<16xi32>,
      tpu.vector_store_idx %arg7[%parallel_loop3A_176], %broadcast_in_dim3A_62 {add = true} : memref<4096xf32, #tpu.memory_space<vmem>>[vector<16xi32>], vector<16xf32>,
      %parallel_loop3A_177 = arith.index_cast %parallel_loop3A_95 : i32 to index
      %parallel_loop3A_178 = arith.constant 432 : index
      %parallel_loop3A_179 = tpu.vector_load %arg4[%parallel_loop3A_177, %parallel_loop3A_178] {strides = array<i32>} : memref<128x512xi32, #tpu.memory_space<vmem>>, vector<16xi32>,
      tpu.vector_store_idx %arg8[%parallel_loop3A_179], %broadcast_in_dim3A_62 {add = true} : memref<4096xf32, #tpu.memory_space<vmem>>[vector<16xi32>], vector<16xf32>,
      %parallel_loop3A_180 = arith.index_cast %parallel_loop3A_95 : i32 to index
      %parallel_loop3A_181 = arith.constant 448 : index
      %parallel_loop3A_182 = tpu.vector_load %arg4[%parallel_loop3A_180, %parallel_loop3A_181] {strides = array<i32>} : memref<128x512xi32, #tpu.memory_space<vmem>>, vector<16xi32>,
      tpu.vector_store_idx %arg5[%parallel_loop3A_182], %broadcast_in_dim3A_62 {add = true} : memref<4096xf32, #tpu.memory_space<vmem>>[vector<16xi32>], vector<16xf32>,
      %parallel_loop3A_183 = arith.index_cast %parallel_loop3A_95 : i32 to index
      %parallel_loop3A_184 = arith.constant 464 : index
      %parallel_loop3A_185 = tpu.vector_load %arg4[%parallel_loop3A_183, %parallel_loop3A_184] {strides = array<i32>} : memref<128x512xi32, #tpu.memory_space<vmem>>, vector<16xi32>,
      tpu.vector_store_idx %arg6[%parallel_loop3A_185], %broadcast_in_dim3A_62 {add = true} : memref<4096xf32, #tpu.memory_space<vmem>>[vector<16xi32>], vector<16xf32>,
      %parallel_loop3A_186 = arith.index_cast %parallel_loop3A_95 : i32 to index
      %parallel_loop3A_187 = arith.constant 480 : index
      %parallel_loop3A_188 = tpu.vector_load %arg4[%parallel_loop3A_186, %parallel_loop3A_187] {strides = array<i32>} : memref<128x512xi32, #tpu.memory_space<vmem>>, vector<16xi32>,
      tpu.vector_store_idx %arg7[%parallel_loop3A_188], %broadcast_in_dim3A_62 {add = true} : memref<4096xf32, #tpu.memory_space<vmem>>[vector<16xi32>], vector<16xf32>,
      %parallel_loop3A_189 = arith.index_cast %parallel_loop3A_95 : i32 to index
      %parallel_loop3A_190 = arith.constant 496 : index
      %parallel_loop3A_191 = tpu.vector_load %arg4[%parallel_loop3A_189, %parallel_loop3A_190] {strides = array<i32>} : memref<128x512xi32, #tpu.memory_space<vmem>>, vector<16xi32>,
      tpu.vector_store_idx %arg8[%parallel_loop3A_191], %broadcast_in_dim3A_62 {add = true} : memref<4096xf32, #tpu.memory_space<vmem>>[vector<16xi32>], vector<16xf32>,
    } {sc.loop_unroll_factor = 2 : i64, sc.parallel_access}
    %parallel_loop3A_92 = arith.constant 0 : i32
    %parallel_loop3A_93 = arith.constant 256 : i32
    %parallel_loop3A_94 = arith.constant 1 : i32
    scf.for %parallel_loop3A_95 = %parallel_loop3A_92 to %parallel_loop3A_93 step %parallel_loop3A_94  : i32 {
      %parallel_loop3A_96 = arith.constant 16 : i32
      %parallel_loop3A_97 = arith.muli %parallel_loop3A_95, %parallel_loop3A_96 : i32
      %parallel_loop3A_98 = arith.index_cast %parallel_loop3A_97 : i32 to index
      %parallel_loop3A_99 = tpu.vector_load %arg5[%parallel_loop3A_98] {strides = array<i32>} : memref<4096xf32, #tpu.memory_space<vmem>>, vector<16xf32>,
      %parallel_loop3A_100 = arith.index_cast %parallel_loop3A_97 : i32 to index
      %parallel_loop3A_101 = tpu.vector_load %arg6[%parallel_loop3A_100] {strides = array<i32>} : memref<4096xf32, #tpu.memory_space<vmem>>, vector<16xf32>,
      %parallel_loop3A_102 = arith.addf %parallel_loop3A_99, %parallel_loop3A_101 : vector<16xf32>
      %parallel_loop3A_103 = arith.index_cast %parallel_loop3A_97 : i32 to index
      %parallel_loop3A_104 = tpu.vector_load %arg7[%parallel_loop3A_103] {strides = array<i32>} : memref<4096xf32, #tpu.memory_space<vmem>>, vector<16xf32>,
      %parallel_loop3A_105 = arith.index_cast %parallel_loop3A_97 : i32 to index
      %parallel_loop3A_106 = tpu.vector_load %arg8[%parallel_loop3A_105] {strides = array<i32>} : memref<4096xf32, #tpu.memory_space<vmem>>, vector<16xf32>,
      %parallel_loop3A_107 = arith.addf %parallel_loop3A_104, %parallel_loop3A_106 : vector<16xf32>
      %parallel_loop3A_108 = arith.addf %parallel_loop3A_102, %parallel_loop3A_107 : vector<16xf32>
      %parallel_loop3A_109 = arith.index_cast %parallel_loop3A_97 : i32 to index
      %parallel_loop3A_110 = tpu.vector_load %arg5[%parallel_loop3A_109] {strides = array<i32>} : memref<4096xf32, #tpu.memory_space<vmem>>, vector<16xf32>,
      tpu.vector_store %arg5[%parallel_loop3A_109], %parallel_loop3A_108 {strides = array<i32>} : memref<4096xf32, #tpu.memory_space<vmem>>, vector<16xf32>,
    } {sc.loop_unroll_factor = 1 : i64, sc.parallel_access}
    "tpu.region"() ({
      %run_scoped3A = tpu.sem_alloc : memref<!tpu.dma_semaphore, #tpu.memory_space<semaphore_mem>>
      %dma_start3A_95 = arith.constant 0 : i32
      %dma_start3A_96 = tpu.memref_slice %arg3[%add3A, %dma_start3A_95] : memref<32x4096xf32, #tpu.memory_space<hbm>> -> memref<1x4096xf32, #tpu.memory_space<hbm>>
      %dma_start3A_97 = tpu.memref_squeeze %dma_start3A_96 : memref<1x4096xf32, #tpu.memory_space<hbm>> -> memref<4096xf32, #tpu.memory_space<hbm>>
      %dma_start3A_98 = arith.constant 0 : i32
      %dma_start3A_99 = tpu.memref_slice %arg3[%add3A, %dma_start3A_98] : memref<32x4096xf32, #tpu.memory_space<hbm>> -> memref<1x4096xf32, #tpu.memory_space<hbm>>
      %dma_start3A_100 = tpu.memref_squeeze %dma_start3A_99 : memref<1x4096xf32, #tpu.memory_space<hbm>> -> memref<4096xf32, #tpu.memory_space<hbm>>
      tpu.enqueue_dma source(%arg5 : memref<4096xf32, #tpu.memory_space<vmem>>) target(%dma_start3A_100 : memref<4096xf32, #tpu.memory_space<hbm>>) target_semaphore(%run_scoped3A : memref<!tpu.dma_semaphore, #tpu.memory_space<semaphore_mem>>)
      %dma_wait3A_101 = arith.constant 0 : i32
      %dma_wait3A_102 = tpu.memref_slice %arg3[%add3A, %dma_wait3A_101] : memref<32x4096xf32, #tpu.memory_space<hbm>> -> memref<1x4096xf32, #tpu.memory_space<hbm>>
      %dma_wait3A_103 = tpu.memref_squeeze %dma_wait3A_102 : memref<1x4096xf32, #tpu.memory_space<hbm>> -> memref<4096xf32, #tpu.memory_space<hbm>>
      %dma_wait3A_104 = arith.constant 0 : i32
      %dma_wait3A_105 = tpu.memref_slice %arg3[%add3A, %dma_wait3A_104] : memref<32x4096xf32, #tpu.memory_space<hbm>> -> memref<1x4096xf32, #tpu.memory_space<hbm>>
      %dma_wait3A_106 = tpu.memref_squeeze %dma_wait3A_105 : memref<1x4096xf32, #tpu.memory_space<hbm>> -> memref<4096xf32, #tpu.memory_space<hbm>>
      tpu.wait_dma2 semaphore(%run_scoped3A : memref<!tpu.dma_semaphore, #tpu.memory_space<semaphore_mem>>) src(%arg5 : memref<4096xf32, #tpu.memory_space<vmem>>) dst(%dma_wait3A_106 : memref<4096xf32, #tpu.memory_space<hbm>>)
      tpu.yield
    }) : () -> ()
    return
  }
}

module attributes {stable_mosaic.version = 14 : i64} {
  func.func @_finalize_body(%arg0: memref<32x256x16xf32, #tpu.memory_space<vmem>>, %arg1: memref<1x256xf32, #tpu.memory_space<vmem>>) attributes {dimension_semantics = [], scalar_prefetch = 0 : i64, scratch_operands = 0 : i64, tpu.core_type = #tpu.core_type<tc>} {
    %get3A = arith.constant 0 : index
    %get3A_0 = arith.constant 0 : index
    %get3A_1 = arith.constant 0 : index
    %get3A_2 = vector.load %arg0[%get3A, %get3A_0, %get3A_1] : memref<32x256x16xf32, #tpu.memory_space<vmem>>, vector<32x256x16xf32>
    %reduce_sum3A = arith.constant dense<0.000000e+00> : vector<256xf32>
    %reduce_sum3A_3 = vector.multi_reduction <add>, %get3A_2, %reduce_sum3A [0, 2] : vector<32x256x16xf32> to vector<256xf32>
    %reshape3A = vector.shape_cast %reduce_sum3A_3 : vector<256xf32> to vector<1x256xf32>
    %reduce_sum3A_4 = vector.shape_cast %reshape3A : vector<1x256xf32> to vector<1x1x256xf32>
    %reduce_sum3A_5 = arith.constant dense<0.000000e+00> : vector<1xf32>
    %reduce_sum3A_6 = vector.multi_reduction <add>, %reduce_sum3A_4, %reduce_sum3A_5 [1, 2] : vector<1x1x256xf32> to vector<1xf32>
    %reduce_sum3A_7 = vector.shape_cast %reduce_sum3A_6 : vector<1xf32> to vector<1x1x1xf32>
    %reduce_sum3A_8 = vector.extract %reduce_sum3A_7[0, 0, 0] : f32 from vector<1x1x1xf32>
    %div3A = arith.constant 2.560000e+02 : f32
    %div3A_9 = arith.divf %reduce_sum3A_8, %div3A : f32
    %sub3A = vector.broadcast %div3A_9 : f32 to vector<1x256xf32>
    %sub3A_10 = arith.subf %reshape3A, %sub3A : vector<1x256xf32>
    %integer_pow3A = arith.mulf %sub3A_10, %sub3A_10 : vector<1x256xf32>
    %reduce_sum3A_11 = vector.shape_cast %integer_pow3A : vector<1x256xf32> to vector<1x1x256xf32>
    %reduce_sum3A_12 = arith.constant dense<0.000000e+00> : vector<1xf32>
    %reduce_sum3A_13 = vector.multi_reduction <add>, %reduce_sum3A_11, %reduce_sum3A_12 [1, 2] : vector<1x1x256xf32> to vector<1xf32>
    %reduce_sum3A_14 = vector.shape_cast %reduce_sum3A_13 : vector<1xf32> to vector<1x1x1xf32>
    %reduce_sum3A_15 = vector.extract %reduce_sum3A_14[0, 0, 0] : f32 from vector<1x1x1xf32>
    %div3A_16 = arith.constant 2.550000e+02 : f32
    %div3A_17 = arith.divf %reduce_sum3A_15, %div3A_16 : f32
    %sub3A_18 = vector.broadcast %div3A_9 : f32 to vector<1x256xf32>
    %sub3A_19 = arith.subf %reshape3A, %sub3A_18 : vector<1x256xf32>
    %rsqrt3A = math.rsqrt %div3A_17 : f32
    %mul3A = vector.broadcast %rsqrt3A : f32 to vector<1x256xf32>
    %mul3A_20 = arith.mulf %sub3A_19, %mul3A : vector<1x256xf32>
    %swap3A = arith.constant 0 : index
    %swap3A_21 = arith.constant 0 : index
    %swap3A_22 = vector.load %arg1[%swap3A, %swap3A_21] : memref<1x256xf32, #tpu.memory_space<vmem>>, vector<1x256xf32>
    tpu.vector_store %arg1[%swap3A, %swap3A_21], %mul3A_20 {strides = array<i32>} : memref<1x256xf32, #tpu.memory_space<vmem>>, vector<1x256xf32>,
    return
  }
}

module attributes {stable_mosaic.version = 14 : i64} {
  func.func @_codes_body(%arg0: i32, %arg1: memref<1x3x512x512xf32, #tpu.memory_space<vmem>>, %arg2: memref<1x512x512xi32, #tpu.memory_space<vmem>>, %arg3: memref<514x514xbf16, #tpu.memory_space<vmem>>, %arg4: memref<512x514xbf16, #tpu.memory_space<vmem>>, %arg5: memref<512x514xbf16, #tpu.memory_space<vmem>>, %arg6: memref<512x514xbf16, #tpu.memory_space<vmem>>) attributes {dimension_semantics = [#tpu.dimension_semantics<parallel>], iteration_bounds = array<i64: 8>, scalar_prefetch = 0 : i64, scratch_operands = 4 : i64, tpu.core_type = #tpu.core_type<tc>, window_params = [{transform_indices = @transform_0, window_bounds = array<i64: 1, 3, 512, 512>}, {transform_indices = @transform_1, window_bounds = array<i64: 1, 512, 512>}]} {
    %get3A = arith.constant 0 : index
    %get3A_0 = arith.constant 0 : index
    %get3A_1 = arith.constant 0 : index
    %get3A_2 = arith.constant 0 : index
    %get3A_3 = vector.load %arg1[%get3A, %get3A_0, %get3A_1, %get3A_2] : memref<1x3x512x512xf32, #tpu.memory_space<vmem>>, vector<1x1x512x512xf32>
    %get3A_4 = vector.shape_cast %get3A_3 : vector<1x1x512x512xf32> to vector<512x512xf32>
    %get3A_5 = arith.constant 0 : index
    %get3A_6 = arith.constant 1 : index
    %get3A_7 = arith.constant 0 : index
    %get3A_8 = arith.constant 0 : index
    %get3A_9 = vector.load %arg1[%get3A_5, %get3A_6, %get3A_7, %get3A_8] : memref<1x3x512x512xf32, #tpu.memory_space<vmem>>, vector<1x1x512x512xf32>
    %get3A_10 = vector.shape_cast %get3A_9 : vector<1x1x512x512xf32> to vector<512x512xf32>
    %get3A_11 = arith.constant 0 : index
    %get3A_12 = arith.constant 2 : index
    %get3A_13 = arith.constant 0 : index
    %get3A_14 = arith.constant 0 : index
    %get3A_15 = vector.load %arg1[%get3A_11, %get3A_12, %get3A_13, %get3A_14] : memref<1x3x512x512xf32, #tpu.memory_space<vmem>>, vector<1x1x512x512xf32>
    %get3A_16 = vector.shape_cast %get3A_15 : vector<1x1x512x512xf32> to vector<512x512xf32>
    %mul3A = arith.constant 2.990000e-01 : f32
    %mul3A_17 = vector.broadcast %mul3A : f32 to vector<512x512xf32>
    %mul3A_18 = arith.mulf %mul3A_17, %get3A_4 : vector<512x512xf32>
    %mul3A_19 = arith.constant 5.870000e-01 : f32
    %mul3A_20 = vector.broadcast %mul3A_19 : f32 to vector<512x512xf32>
    %mul3A_21 = arith.mulf %mul3A_20, %get3A_10 : vector<512x512xf32>
    %add3A = arith.addf %mul3A_18, %mul3A_21 : vector<512x512xf32>
    %mul3A_22 = arith.constant 1.140000e-01 : f32
    %mul3A_23 = vector.broadcast %mul3A_22 : f32 to vector<512x512xf32>
    %mul3A_24 = arith.mulf %mul3A_23, %get3A_16 : vector<512x512xf32>
    %add3A_25 = arith.addf %add3A, %mul3A_24 : vector<512x512xf32>
    %convert_element_type3A = arith.truncf %add3A_25 : vector<512x512xf32> to vector<512x512xbf16>
    %broadcast_in_dim3A = arith.constant 0.000000e+00 : bf16
    %broadcast_in_dim3A_26 = vector.broadcast %broadcast_in_dim3A : bf16 to vector<1x514xbf16>
    %swap3A = arith.constant 0 : index
    %swap3A_27 = arith.constant 0 : index
    %swap3A_28 = vector.load %arg3[%swap3A, %swap3A_27] : memref<514x514xbf16, #tpu.memory_space<vmem>>, vector<1x514xbf16>
    tpu.vector_store %arg3[%swap3A, %swap3A_27], %broadcast_in_dim3A_26 {strides = array<i32>} : memref<514x514xbf16, #tpu.memory_space<vmem>>, vector<1x514xbf16>,
    %broadcast_in_dim3A_29 = arith.constant 0.000000e+00 : bf16
    %broadcast_in_dim3A_30 = vector.broadcast %broadcast_in_dim3A_29 : bf16 to vector<1x514xbf16>
    %swap3A_31 = arith.constant 513 : index
    %swap3A_32 = arith.constant 0 : index
    %swap3A_33 = vector.load %arg3[%swap3A_31, %swap3A_32] : memref<514x514xbf16, #tpu.memory_space<vmem>>, vector<1x514xbf16>
    tpu.vector_store %arg3[%swap3A_31, %swap3A_32], %broadcast_in_dim3A_30 {strides = array<i32>} : memref<514x514xbf16, #tpu.memory_space<vmem>>, vector<1x514xbf16>,
    %broadcast_in_dim3A_34 = arith.constant 0.000000e+00 : bf16
    %broadcast_in_dim3A_35 = vector.broadcast %broadcast_in_dim3A_34 : bf16 to vector<514x1xbf16>
    %swap3A_36 = arith.constant 0 : index
    %swap3A_37 = arith.constant 0 : index
    %swap3A_38 = vector.load %arg3[%swap3A_36, %swap3A_37] : memref<514x514xbf16, #tpu.memory_space<vmem>>, vector<514x1xbf16>
    tpu.vector_store %arg3[%swap3A_36, %swap3A_37], %broadcast_in_dim3A_35 {strides = array<i32>} : memref<514x514xbf16, #tpu.memory_space<vmem>>, vector<514x1xbf16>,
    %broadcast_in_dim3A_39 = arith.constant 0.000000e+00 : bf16
    %broadcast_in_dim3A_40 = vector.broadcast %broadcast_in_dim3A_39 : bf16 to vector<514x1xbf16>
    %swap3A_41 = arith.constant 0 : index
    %swap3A_42 = arith.constant 513 : index
    %swap3A_43 = vector.load %arg3[%swap3A_41, %swap3A_42] : memref<514x514xbf16, #tpu.memory_space<vmem>>, vector<514x1xbf16>
    tpu.vector_store %arg3[%swap3A_41, %swap3A_42], %broadcast_in_dim3A_40 {strides = array<i32>} : memref<514x514xbf16, #tpu.memory_space<vmem>>, vector<514x1xbf16>,
    %swap3A_44 = arith.constant 1 : index
    %swap3A_45 = arith.constant 1 : index
    %swap3A_46 = vector.load %arg3[%swap3A_44, %swap3A_45] : memref<514x514xbf16, #tpu.memory_space<vmem>>, vector<512x512xbf16>
    tpu.vector_store %arg3[%swap3A_44, %swap3A_45], %convert_element_type3A {strides = array<i32>} : memref<514x514xbf16, #tpu.memory_space<vmem>>, vector<512x512xbf16>,
    %get3A_47 = arith.constant 0 : index
    %get3A_48 = arith.constant 0 : index
    %get3A_49 = vector.load %arg3[%get3A_47, %get3A_48] : memref<514x514xbf16, #tpu.memory_space<vmem>>, vector<512x514xbf16>
    %swap3A_50 = arith.constant 0 : index
    %swap3A_51 = arith.constant 0 : index
    %swap3A_52 = vector.load %arg4[%swap3A_50, %swap3A_51] : memref<512x514xbf16, #tpu.memory_space<vmem>>, vector<512x514xbf16>
    tpu.vector_store %arg4[%swap3A_50, %swap3A_51], %get3A_49 {strides = array<i32>} : memref<512x514xbf16, #tpu.memory_space<vmem>>, vector<512x514xbf16>,
    %broadcast_in_dim3A_53 = arith.constant 0.000000e+00 : bf16
    %broadcast_in_dim3A_54 = vector.broadcast %broadcast_in_dim3A_53 : bf16 to vector<512x1xbf16>
    %swap3A_55 = arith.constant 0 : index
    %swap3A_56 = arith.constant 0 : index
    %swap3A_57 = vector.load %arg5[%swap3A_55, %swap3A_56] : memref<512x514xbf16, #tpu.memory_space<vmem>>, vector<512x1xbf16>
    tpu.vector_store %arg5[%swap3A_55, %swap3A_56], %broadcast_in_dim3A_54 {strides = array<i32>} : memref<512x514xbf16, #tpu.memory_space<vmem>>, vector<512x1xbf16>,
    %broadcast_in_dim3A_58 = arith.constant 0.000000e+00 : bf16
    %broadcast_in_dim3A_59 = vector.broadcast %broadcast_in_dim3A_58 : bf16 to vector<512x1xbf16>
    %swap3A_60 = arith.constant 0 : index
    %swap3A_61 = arith.constant 513 : index
    %swap3A_62 = vector.load %arg5[%swap3A_60, %swap3A_61] : memref<512x514xbf16, #tpu.memory_space<vmem>>, vector<512x1xbf16>
    tpu.vector_store %arg5[%swap3A_60, %swap3A_61], %broadcast_in_dim3A_59 {strides = array<i32>} : memref<512x514xbf16, #tpu.memory_space<vmem>>, vector<512x1xbf16>,
    %swap3A_63 = arith.constant 0 : index
    %swap3A_64 = arith.constant 1 : index
    %swap3A_65 = vector.load %arg5[%swap3A_63, %swap3A_64] : memref<512x514xbf16, #tpu.memory_space<vmem>>, vector<512x512xbf16>
    tpu.vector_store %arg5[%swap3A_63, %swap3A_64], %convert_element_type3A {strides = array<i32>} : memref<512x514xbf16, #tpu.memory_space<vmem>>, vector<512x512xbf16>,
    %get3A_66 = arith.constant 2 : index
    %get3A_67 = arith.constant 0 : index
    %get3A_68 = vector.load %arg3[%get3A_66, %get3A_67] : memref<514x514xbf16, #tpu.memory_space<vmem>>, vector<512x514xbf16>
    %swap3A_69 = arith.constant 0 : index
    %swap3A_70 = arith.constant 0 : index
    %swap3A_71 = vector.load %arg6[%swap3A_69, %swap3A_70] : memref<512x514xbf16, #tpu.memory_space<vmem>>, vector<512x514xbf16>
    tpu.vector_store %arg6[%swap3A_69, %swap3A_70], %get3A_68 {strides = array<i32>} : memref<512x514xbf16, #tpu.memory_space<vmem>>, vector<512x514xbf16>,
    %broadcast_in_dim3A_72 = arith.constant 0.000000e+00 : bf16
    %broadcast_in_dim3A_73 = vector.broadcast %broadcast_in_dim3A_72 : bf16 to vector<512x512xbf16>
    %get3A_74 = arith.constant 0 : index
    %get3A_75 = arith.constant 2 : index
    %get3A_76 = vector.load %arg4[%get3A_74, %get3A_75] : memref<512x514xbf16, #tpu.memory_space<vmem>>, vector<512x512xbf16>
    %ge3A = arith.cmpf oge, %get3A_76, %convert_element_type3A : vector<512x512xbf16>
    %jit3A = arith.constant 1.000000e+00 : bf16
    %jit3A_77 = arith.constant 0.000000e+00 : bf16
    %broadcast_in_dim3A_78 = vector.broadcast %jit3A : bf16 to vector<512x512xbf16>
    %broadcast_in_dim3A_79 = vector.broadcast %jit3A_77 : bf16 to vector<512x512xbf16>
    %select_n3A = arith.select %ge3A, %broadcast_in_dim3A_78, %broadcast_in_dim3A_79 : vector<512x512xi1>, vector<512x512xbf16>
    %add3A_80 = arith.addf %broadcast_in_dim3A_73, %select_n3A : vector<512x512xbf16>
    %get3A_81 = arith.constant 0 : index
    %get3A_82 = arith.constant 2 : index
    %get3A_83 = vector.load %arg5[%get3A_81, %get3A_82] : memref<512x514xbf16, #tpu.memory_space<vmem>>, vector<512x512xbf16>
    %ge3A_84 = arith.cmpf oge, %get3A_83, %convert_element_type3A : vector<512x512xbf16>
    %jit3A_85 = arith.constant 2.000000e+00 : bf16
    %jit3A_86 = arith.constant 0.000000e+00 : bf16
    %broadcast_in_dim3A_87 = vector.broadcast %jit3A_85 : bf16 to vector<512x512xbf16>
    %broadcast_in_dim3A_88 = vector.broadcast %jit3A_86 : bf16 to vector<512x512xbf16>
    %select_n3A_89 = arith.select %ge3A_84, %broadcast_in_dim3A_87, %broadcast_in_dim3A_88 : vector<512x512xi1>, vector<512x512xbf16>
    %add3A_90 = arith.addf %add3A_80, %select_n3A_89 : vector<512x512xbf16>
    %get3A_91 = arith.constant 0 : index
    %get3A_92 = arith.constant 2 : index
    %get3A_93 = vector.load %arg6[%get3A_91, %get3A_92] : memref<512x514xbf16, #tpu.memory_space<vmem>>, vector<512x512xbf16>
    %ge3A_94 = arith.cmpf oge, %get3A_93, %convert_element_type3A : vector<512x512xbf16>
    %jit3A_95 = arith.constant 4.000000e+00 : bf16
    %jit3A_96 = arith.constant 0.000000e+00 : bf16
    %broadcast_in_dim3A_97 = vector.broadcast %jit3A_95 : bf16 to vector<512x512xbf16>
    %broadcast_in_dim3A_98 = vector.broadcast %jit3A_96 : bf16 to vector<512x512xbf16>
    %select_n3A_99 = arith.select %ge3A_94, %broadcast_in_dim3A_97, %broadcast_in_dim3A_98 : vector<512x512xi1>, vector<512x512xbf16>
    %add3A_100 = arith.addf %add3A_90, %select_n3A_99 : vector<512x512xbf16>
    %get3A_101 = arith.constant 0 : index
    %get3A_102 = arith.constant 1 : index
    %get3A_103 = vector.load %arg6[%get3A_101, %get3A_102] : memref<512x514xbf16, #tpu.memory_space<vmem>>, vector<512x512xbf16>
    %ge3A_104 = arith.cmpf oge, %get3A_103, %convert_element_type3A : vector<512x512xbf16>
    %jit3A_105 = arith.constant 8.000000e+00 : bf16
    %jit3A_106 = arith.constant 0.000000e+00 : bf16
    %broadcast_in_dim3A_107 = vector.broadcast %jit3A_105 : bf16 to vector<512x512xbf16>
    %broadcast_in_dim3A_108 = vector.broadcast %jit3A_106 : bf16 to vector<512x512xbf16>
    %select_n3A_109 = arith.select %ge3A_104, %broadcast_in_dim3A_107, %broadcast_in_dim3A_108 : vector<512x512xi1>, vector<512x512xbf16>
    %add3A_110 = arith.addf %add3A_100, %select_n3A_109 : vector<512x512xbf16>
    %get3A_111 = arith.constant 0 : index
    %get3A_112 = arith.constant 0 : index
    %get3A_113 = vector.load %arg6[%get3A_111, %get3A_112] : memref<512x514xbf16, #tpu.memory_space<vmem>>, vector<512x512xbf16>
    %ge3A_114 = arith.cmpf oge, %get3A_113, %convert_element_type3A : vector<512x512xbf16>
    %jit3A_115 = arith.constant 1.600000e+01 : bf16
    %jit3A_116 = arith.constant 0.000000e+00 : bf16
    %broadcast_in_dim3A_117 = vector.broadcast %jit3A_115 : bf16 to vector<512x512xbf16>
    %broadcast_in_dim3A_118 = vector.broadcast %jit3A_116 : bf16 to vector<512x512xbf16>
    %select_n3A_119 = arith.select %ge3A_114, %broadcast_in_dim3A_117, %broadcast_in_dim3A_118 : vector<512x512xi1>, vector<512x512xbf16>
    %add3A_120 = arith.addf %add3A_110, %select_n3A_119 : vector<512x512xbf16>
    %get3A_121 = arith.constant 0 : index
    %get3A_122 = arith.constant 0 : index
    %get3A_123 = vector.load %arg5[%get3A_121, %get3A_122] : memref<512x514xbf16, #tpu.memory_space<vmem>>, vector<512x512xbf16>
    %ge3A_124 = arith.cmpf oge, %get3A_123, %convert_element_type3A : vector<512x512xbf16>
    %jit3A_125 = arith.constant 3.200000e+01 : bf16
    %jit3A_126 = arith.constant 0.000000e+00 : bf16
    %broadcast_in_dim3A_127 = vector.broadcast %jit3A_125 : bf16 to vector<512x512xbf16>
    %broadcast_in_dim3A_128 = vector.broadcast %jit3A_126 : bf16 to vector<512x512xbf16>
    %select_n3A_129 = arith.select %ge3A_124, %broadcast_in_dim3A_127, %broadcast_in_dim3A_128 : vector<512x512xi1>, vector<512x512xbf16>
    %add3A_130 = arith.addf %add3A_120, %select_n3A_129 : vector<512x512xbf16>
    %get3A_131 = arith.constant 0 : index
    %get3A_132 = arith.constant 0 : index
    %get3A_133 = vector.load %arg4[%get3A_131, %get3A_132] : memref<512x514xbf16, #tpu.memory_space<vmem>>, vector<512x512xbf16>
    %ge3A_134 = arith.cmpf oge, %get3A_133, %convert_element_type3A : vector<512x512xbf16>
    %jit3A_135 = arith.constant 6.400000e+01 : bf16
    %jit3A_136 = arith.constant 0.000000e+00 : bf16
    %broadcast_in_dim3A_137 = vector.broadcast %jit3A_135 : bf16 to vector<512x512xbf16>
    %broadcast_in_dim3A_138 = vector.broadcast %jit3A_136 : bf16 to vector<512x512xbf16>
    %select_n3A_139 = arith.select %ge3A_134, %broadcast_in_dim3A_137, %broadcast_in_dim3A_138 : vector<512x512xi1>, vector<512x512xbf16>
    %add3A_140 = arith.addf %add3A_130, %select_n3A_139 : vector<512x512xbf16>
    %get3A_141 = arith.constant 0 : index
    %get3A_142 = arith.constant 1 : index
    %get3A_143 = vector.load %arg4[%get3A_141, %get3A_142] : memref<512x514xbf16, #tpu.memory_space<vmem>>, vector<512x512xbf16>
    %ge3A_144 = arith.cmpf oge, %get3A_143, %convert_element_type3A : vector<512x512xbf16>
    %jit3A_145 = arith.constant 1.280000e+02 : bf16
    %jit3A_146 = arith.constant 0.000000e+00 : bf16
    %broadcast_in_dim3A_147 = vector.broadcast %jit3A_145 : bf16 to vector<512x512xbf16>
    %broadcast_in_dim3A_148 = vector.broadcast %jit3A_146 : bf16 to vector<512x512xbf16>
    %select_n3A_149 = arith.select %ge3A_144, %broadcast_in_dim3A_147, %broadcast_in_dim3A_148 : vector<512x512xi1>, vector<512x512xbf16>
    %add3A_150 = arith.addf %add3A_140, %select_n3A_149 : vector<512x512xbf16>
    %iota3A = tpu.iota {dimensions = array<i32: 1>} : vector<512x512xi32>
    %convert_element_type3A_151 = arith.extf %add3A_150 : vector<512x512xbf16> to vector<512x512xf32>
    %convert_element_type3A_152 = arith.fptosi %convert_element_type3A_151 : vector<512x512xf32> to vector<512x512xi32>
    %shift_left3A = arith.constant 4 : i32
    %shift_left3A_153 = vector.broadcast %shift_left3A : i32 to vector<512x512xi32>
    %shift_left3A_154 = arith.shli %convert_element_type3A_152, %shift_left3A_153 : vector<512x512xi32>
    %and3A = arith.constant 15 : i32
    %and3A_155 = vector.broadcast %and3A : i32 to vector<512x512xi32>
    %and3A_156 = arith.andi %iota3A, %and3A_155 : vector<512x512xi32>
    %add3A_157 = arith.addi %shift_left3A_154, %and3A_156 : vector<512x512xi32>
    %swap3A_158 = arith.constant 0 : index
    %swap3A_159 = arith.constant 0 : index
    %swap3A_160 = arith.constant 0 : index
    %swap3A_161 = vector.load %arg2[%swap3A_158, %swap3A_159, %swap3A_160] : memref<1x512x512xi32, #tpu.memory_space<vmem>>, vector<1x512x512xi32>
    %swap3A_162 = vector.shape_cast %swap3A_161 : vector<1x512x512xi32> to vector<512x512xi32>
    %swap3A_163 = vector.shape_cast %add3A_157 : vector<512x512xi32> to vector<1x512x512xi32>
    tpu.vector_store %arg2[%swap3A_158, %swap3A_159, %swap3A_160], %swap3A_163 {strides = array<i32>} : memref<1x512x512xi32, #tpu.memory_space<vmem>>, vector<1x512x512xi32>,
    return
  }
  func.func @transform_0(%arg0: i32) -> (i32, i32, i32, i32) {
    %c0_i32 = arith.constant 0 : i32
    %c0_i32_0 = arith.constant 0 : i32
    %c0_i32_1 = arith.constant 0 : i32
    %c0_i32_2 = arith.constant 0 : i32
    return %arg0, %c0_i32, %c0_i32_0, %c0_i32_1 : i32, i32, i32, i32
  }
  func.func @transform_1(%arg0: i32) -> (i32, i32, i32) {
    %c0_i32 = arith.constant 0 : i32
    %c0_i32_0 = arith.constant 0 : i32
    %c0_i32_1 = arith.constant 0 : i32
    return %arg0, %c0_i32, %c0_i32_0 : i32, i32, i32
  }
}

</mosaic_0001>

<sc_bundles>
// kernel: kernel.5.cloned.1.call-start
scs
__scs_entry_jumppad:
0x0: {  	(pc) =	sbr.rel $0x88, $3  }
0x1: {  	(tag) =	ssettag $0x0;
	lr =	simm.s32 $0x1  }
0x2: {  	[smem:$0x3FA0] =	sst lr;
	_ =	strace $0xD0000000  }
0x3: {  	_ = 	snop  }
0x4: {  	_ = 	snop  }
0x5: {  	_ = 	snop  }
0x6: {  	_ = 	snop  }
0x7: {  	_ = 	snop  }
__scs_overlays_trampoline_lowered:
0x8: {  	[smem:$0x3FAF] =	sst s0  }
0x9: {  	[smem:$0x3FB0] =	sst s1  }
0xa: {  	[smem:$0x3FB1] =	sst s2  }
0xb: {  	[smem:$0x3FB2] =	sst s3  }
0xc: {  	[smem:$0x3FB3] =	sst s4  }
0xd: {  	[smem:$0x3FB4] =	sst s5  }
0xe: {  	[smem:$0x3FB5] =	sst s6  }
0xf: {  	[smem:$0x3FB6] =	sst s7  }
0x10: {  	[smem:$0x3FB7] =	sst s8  }
0x11: {  	[smem:$0x3FB8] =	sst s9;
	s0 =	simm.s32 @!p0 $0x0  }
0x12: {  	s1 =	sld [smem:$0x3F9E];
	s0 =	simm.s32 @p0 $0x1  }
0x13: {  	[smem:$0x3FB9] =	sst s0;
	s0 =	simm.s32 @!p1 $0x0  }
0x14: {  	s2 =	sld [smem:$0x3F9D];
	s0 =	simm.s32 @p1 $0x1  }
0x15: {  	[smem:$0x3FBA] =	sst s0;
	s0 =	simm.s32 @!p2 $0x0  }
0x16: {  	s3 =	sld [smem:$0x3FDB];
	s0 =	simm.s32 @p2 $0x1  }
0x17: {  	s4 =	simm.s32 $0x1BF5;
	[smem:$0x3FBC] =	sst s0  }
0x18: {  	s0 =	sld [smem:$0x3F9F];
	_ =	swait.ge [sflag:s4], $0x0  }
0x19: {  	s7 =	sld [smem:$0x3FA0]  }
0x1a: {  	s8 =	sadd.s32 $0xFFFFE003, lr  }
0x1b: {  	s9 =	sadd.s32 $0xFFFFFEF7, lr;
	s5 =	simm.s32 $0xFFFFFFFF;
	p2 =	slt.u32 s8, $0xFFFFF086  }
0x1c: {  	p1 =	slt.u32 s9, $0xF7A;
	s5 =	simm.s32 @!p2 $0x0  }
0x1d: {  	s5 =	simm.s32 @p1 $0x1;
	p0 =	seq.s32 s7, s2  }
0x1e: {  	s7 =	smul.u32 @!p0 $0xF7A, s2;
	p2 =	seq.s32 @!p0 s5, $0x0  }
0x1f: {  	s9 =	smul.u32 $0xF7A, s1;
	s8 =	simm.s32 @!p0 $0x1BF5;
	p2 =	por !p2, p0  }
0x20: {  	[sflag:s8] =	ssyncset.s32 @!p0 $0xFFFFF086;
	s6 =	sadd.s32 @!p0 s3, s7;
	s7 =	simm.s32 @!p0 $0x108  }
0x21: {  	s3 =	sadd.s32 s3, s9;
	s6 =	sadd.s32 @!p0 $0x88, s6;
	s7 =	simm.s32 @p2 $0x1082  }
0x22: {  	[simem:s7], [sflag:s8] =	dma.local @!p0 [hbm:s6], $0xF7A  }
0x23: {  	s9 =	sor.u32 $0xD0000000, s2;
	s6 =	simm.s32 $0x108;
	_ =	swait.ge @!p0 [sflag:s8], $0x0  }
0x24: {  	s3 =	sadd.s32 $0x88, s3;
	s6 =	simm.s32 @!p1 $0x1082;
	[sflag:s4] =	ssyncset.s32 $0xFFFFF086  }
0x25: {  	[simem:s6], [sflag:s4] =	dma.local [hbm:s3], $0xF7A  }
0x26: {  	[smem:$0x3FA0] =	sst s1;
	(tag) =	ssettag s2;
	_ =	strace s9  }
0x27: {  	s1 =	sld [smem:$0x3FB0]  }
0x28: {  	s2 =	sld [smem:$0x3FB1]  }
0x29: {  	s4 =	sld [smem:$0x3FB3]  }
0x2a: {  	p0 =	seq.s32 s5, $0x0;
	s5 =	sld [smem:$0x3FB4]  }
0x2b: {  	s6 =	sld [smem:$0x3FB5]  }
0x2c: {  	s7 =	sld [smem:$0x3FB6]  }
0x2d: {  	s3 =	simm.s32 $0x108;
	s8 =	sld [smem:$0x3FB7]  }
0x2e: {  	s3 =	simm.s32 @!p0 $0x1082;
	s9 =	sld [smem:$0x3FB8]  }
0x2f: {  	lr =	sadd.s32 s0, s3;
	s0 =	sld [smem:$0x3FAF]  }
0x30: {  	s3 =	sld [smem:$0x3FB2]  }
0x31: {  	[smem:$0x3FBB] =	sst s10  }
0x32: {  	s10 =	sld [smem:$0x3FB9];
	_ =	sdelay $0x3  }
0x33: {  	p0 =	seq.s32 s10, $0x1;
	s10 =	sld [smem:$0x3FBB];
	_ =	sdelay $0x3  }
0x34: {  	[smem:$0x3FBB] =	sst s10  }
0x35: {  	s10 =	sld [smem:$0x3FBA];
	_ =	sdelay $0x3  }
0x36: {  	p1 =	seq.s32 s10, $0x1;
	s10 =	sld [smem:$0x3FBB];
	_ =	sdelay $0x3  }
0x37: {  	[smem:$0x3FBB] =	sst s10  }
0x38: {  	s10 =	sld [smem:$0x3FBC]  }
0x39: {  	_ = 	snop;
	(pc) =	sbr.ind lr, $3  }
0x3a: {  	_ = 	snop  }
0x3b: {  	_ = 	snop  }
0x3c: {  	p2 =	seq.s32 s10, $0x1;
	s10 =	sld [smem:$0x3FBB]  }
0x3d: {  	_ =	shalt  }
0x3e: {  	_ =	shalt  }
0x3f: {  	_ =	shalt  }
0x40: {  	_ =	shalt  }
0x41: {  	_ =	shalt  }
0x42: {  	_ =	shalt  }
0x43: {  	_ =	shalt  }
0x44: {  	_ =	shalt  }
0x45: {  	_ =	shalt  }
0x46: {  	_ =	shalt  }
0x47: {  	_ =	shalt  }
0x48: {  	_ =	shalt  }
0x49: {  	_ =	shalt  }
0x4a: {  	_ =	shalt  }
0x4b: {  	_ =	shalt  }
0x4c: {  	_ =	shalt  }
0x4d: {  	_ =	shalt  }
0x4e: {  	_ =	shalt  }
0x4f: {  	_ =	shalt  }
0x50: {  	_ =	shalt  }
0x51: {  	_ =	shalt  }
0x52: {  	_ =	shalt  }
0x53: {  	_ =	shalt  }
0x54: {  	_ =	shalt  }
0x55: {  	_ =	shalt  }
0x56: {  	_ =	shalt  }
0x57: {  	_ =	shalt  }
0x58: {  	_ =	shalt  }
0x59: {  	_ =	shalt  }
0x5a: {  	_ =	shalt  }
0x5b: {  	_ =	shalt  }
0x5c: {  	_ =	shalt  }
0x5d: {  	_ =	shalt  }
0x5e: {  	_ =	shalt  }
0x5f: {  	_ =	shalt  }
0x60: {  	_ =	shalt  }
0x61: {  	_ =	shalt  }
0x62: {  	_ =	shalt  }
0x63: {  	_ =	shalt  }
0x64: {  	_ =	shalt  }
0x65: {  	_ =	shalt  }
0x66: {  	_ =	shalt  }
0x67: {  	_ =	shalt  }
0x68: {  	_ =	shalt  }
0x69: {  	_ =	shalt  }
0x6a: {  	_ =	shalt  }
0x6b: {  	_ =	shalt  }
0x6c: {  	_ =	shalt  }
0x6d: {  	_ =	shalt  }
0x6e: {  	_ =	shalt  }
0x6f: {  	_ =	shalt  }
0x70: {  	_ =	shalt  }
0x71: {  	_ =	shalt  }
0x72: {  	_ =	shalt  }
0x73: {  	_ =	shalt  }
0x74: {  	_ =	shalt  }
0x75: {  	_ =	shalt  }
0x76: {  	_ =	shalt  }
0x77: {  	_ =	shalt  }
0x78: {  	_ =	shalt  }
0x79: {  	_ =	shalt  }
0x7a: {  	_ =	shalt  }
0x7b: {  	_ =	shalt  }
0x7c: {  	_ =	shalt  }
0x7d: {  	_ =	shalt  }
0x7e: {  	_ =	shalt  }
0x7f: {  	_ =	shalt  }
0x80: {  	_ =	shalt  }
0x81: {  	_ =	shalt  }
0x82: {  	_ =	shalt  }
0x83: {  	_ =	shalt  }
0x84: {  	_ =	shalt  }
0x85: {  	_ =	shalt  }
0x86: {  	_ =	shalt  }
0x87: {  	_ =	shalt  }
.Lfunc_end0:
.L_simem_size_0:
called_computation_lowered:
.L_overlay_start_0:
0x88: {  	s2 =	sld [smem:$0x3FD9]  }
0x89: {  	s3 =	sld [smem:$0x3FFE];
	_ =	sdelay $0x1  }
0x8a: {  	s1 =	srdreg.scid  }
0x8b: {  	s0 =	sand.u32 $0x1, s1  }
0x8c: {  	s16 =	sshll.u32 s0, $0xA;
	s2 =	sadd.s32 s3, s2  }
0x8d: {  	s2 =	sadd.s32 s2, s16  }
0x8e: {  	[smem:$0x3FC7] =	sst s2  }
0x8f: {  	_ = 	snop  }
0x90: {  	(tm) =	ssettm $0x1  }
0x91: {  	s17 =	sld [smem:$0x3FFB];
	_ =	sdelay $0x3  }
0x92: {  	_ =	strace s17  }
0x93: {  	s2 =	sld [smem:$0x3FFC];
	_ =	sdelay $0x3  }
0x94: {  	_ =	strace s2  }
0x95: {  	s2 =	sld [smem:$0x3FFD];
	_ =	sdelay $0x3  }
0x96: {  	_ =	strace s2  }
0x97: {  	_ =	strace $0x8FFFFFFF  }
0x98: {  	s18 =	sld [smem:$0x3FDB];
	_ =	sdelay $0x1  }
0x99: {  	s19 =	simm.s32 $_scs_section_size  }
0x9a: {  	s4 =	simm.s32 $_size__tile_overlayer_lowered;
	s5 =	simm.s32 $_tile_overlayer_lowered  }
0x9b: {  	s22 =	simm.s32 $0x1BFF;
	s21 =	sshll.u32 s5, $0x1;
	s2 =	sadd.s32 s19, s18  }
0x9c: {  	s6 =	simm.s32 $0x0;
	s20 =	sshll.u32 s4, $0x1;
	s4 =	sadd.s32 s21, s2  }
0x9d: {  	[timem:s6], [sflag:s22] =	dma.local [hbm:s4], s20  }
0x9e: {  	_ =	swait.ge [sflag:s22], s20  }
0x9f: {  	s3 =	ssub.s32 $0x0, s20;
	[sflag:s22] =	ssyncset.done $0x0  }
0xa0: {  	[sflag:s22] =	ssyncadd.s32 s3;
	_ =	sdelay $0x1  }
0xa1: {  	s23 =	simm.s32 $0x1B8B  }
0xa2: {  	_ =	swait.ge [sflag:s23], $0x1  }
0xa3: {  	[sflag:s23] =	ssyncset.done $0x0  }
0xa4: {  	s25 =	simm.s32 $0x1B8E;
	s24 =	sld [smem:$0x3FFE];
	[sflag:s23] =	ssyncadd.s32 $0xFFFFFFFF  }
0xa5: {  	s26 =	simm.s32 $execute0_lowered;
	[smem:$0x3FD2] =	sst s25  }
0xa6: {  	s4 =	sshll.u32 s26, $0x1;
	_ =	strace $0x80000046;
	[dreg:$0x1] =	wrdreg $0xFFFFFFFF  }
0xa7: {  	s28 =	simm.s32 $_size_execute0_lowered;
	s2 =	sadd.s32 s2, s4;
	[dreg:$0x0] =	wrdreg $0x0  }
0xa8: {  	s4 =	sshll.u32 s28, $0x1;
	[dreg:$0x2] =	wrdreg s2  }
0xa9: {  	[dreg:$0x3] =	wrdreg s4  }
0xaa: {  	[dreg:$0x4] =	wrdreg $0xC0  }
0xab: {  	_ =	task [dreg:s6], $0x5FFFF  }
0xac: {  	[dreg:$0x1] =	wrdreg $0xFFFFFFFF  }
0xad: {  	[dreg:$0x0] =	wrdreg $0x60  }
0xae: {  	[dreg:$0x2] =	wrdreg s24  }
0xaf: {  	[dreg:$0x3] =	wrdreg $0x9  }
0xb0: {  	_ =	task.clear_ibuf [dreg:s6], $0x4FFFF;
	_ =	strace $0x90000046  }
0xb1: {  	s29 =	simm.s32 $0x9;
	_ =	strace $0x80000048  }
0xb2: {  	_ =	swait.ge [sflag:s29], $0x1  }
0xb3: {  	[sflag:s29] =	ssyncadd.s32 $0xFFFFFFFF  }
0xb4: {  	_ =	strace $0x90000048  }
0xb5: {  	_ =	sfence  }
0xb6: {  	s30 =	sld [smem:$0x0];
	_ =	sdelay $0x2  }
0xb7: {  	s31 =	sshll.u32 s1, $0xD;
	s1 =	sshrl.u32 s1, $0x2  }
0xb8: {  	s3 =	sand.u32 $0x4000, s31;
	s1 =	sadd.s32 s1, s30  }
0xb9: {  	s0 =	sor.u32 s3, s0;
	s1 =	sshll.u32 s1, $0x11  }
0xba: {  	s0 =	sor.u32 s1, s0  }
0xbb: {  	s0 =	sadd.s32 $0x8F2B, s0  }
0xbc: {  	[sflag:s0] =	ssyncadd.remote.s32 $0x1  }
0xbd: {  	_ =	sfence.sel $0xFFFF  }
0xbe: {  	[dreg:$0x0] =	wrdreg $0xFFFFFFFF;
	(pc) =	sbr.abs _section_cstart, $3  }
0xbf: {  	[dreg:$0x1] =	wrdreg $0xFFFFFFFF  }
0xc0: {  	_ =	task.clear_ibuf [dreg:s6], $0x2FFFF;
	_ =	strace $0x9FFFFFFF  }
0xc1: {  	(tm) =	ssettm $0x7FFFFFFF  }
tec
execute0_lowered:
.L_overlay_start_1:
0x0: {  	(tag) =	ssettag $0x1  }
0x1: {  	s0 =	srdreg.scid  }
0x2: {  	s6 =	stileid.u32;
	s1 =	rddreg [dreg:$0x0]  }
0x3: {  	s29 =	simm.s32 $0x0;
	s8 =	simm.s32 $0x1;
	s9 =	simm.s32 $0x10000  }
0x4: {  	s10 =	simm.s32 $0x11000;
	s11 =	simm.s32 $0x12000;
	s12 =	simm.s32 $0x13000  }
0x5: {  	s13 =	simm.s32 $0x2;
	s16 =	simm.s32 $0x3;
	s17 =	simm.s32 $0x0  }
0x6: {  	s0 =	sand.u32 $0x1, s0;
	s2 =	sshll.u32 s6, $0x1;
	s4 =	sshll.u32 s6, $0xE  }
0x7: {  	[smem:$0x7FF] =	sst s29;
	s30 =	sshll.u32 s6, $0xA;
	s3 =	sor.u32 s0, s2  }
0x8: {  	s4 =	sand.u32 $0x38000, s4;
	_ =	strace $0x80000047;
	s5 =	sshll.u32 s3, $0xD  }
0x9: {  	s0 =	ssub.s32 $0x2, s0;
	s3 =	sshll.u32 s3, $0x4;
	s5 =	sand.u32 $0x6000, s5  }
0xa: {  	s31 =	sshrl.u32 s0, $0x1;
	s4 =	sor.u32 s4, s5;
	s5 =	sand.u32 $0x3000, s30  }
0xb: {  	s3 =	sand.u32 $0x70, s3;
	s0 =	ssub.s32 s0, s31;
	s5 =	sadd.s32 s5, s1  }
0xc: {  	s6 =	smax.u32 s0, $0x1;
	s1 =	sadd.s32 s4, s1;
	s5 =	sadd.s32 s3, s5  }
0xd: {  	v0 =	vimm.f32 $0.0e+00;
	v1 =	vimm.f32 $1.000000000e+00;
	s3 =	sadd.s32 $0x600, s1;
	s4 =	sadd.s32 $0x1600, s1;
	s5 =	sadd.s32 $0x40600, s5  }
.LBB2_1:
0xe: {  	s0 =	simm.s32 $0x0  }
0xf: {  	[tilespmem:s0], [sflag:$0x1] =	stream.linear.gather [hbm4b:s3+s0], $0x8000, $0x38;
	[tilespmem:$0x14000] =	vst v63  }
0x10: {  	s1 =	simm.s32 $0x8000  }
0x11: {  	[tilespmem:s1], [sflag:$0x2] =	stream.linear.gather [hbm4b:s4+s0], $0x8000, $0x38;
	[tilespmem:$0x14000] =	vst v63  }
0x12: {  	s1 =	simm.s32 $0x40;
	s0 =	simm.s32 $0x0  }
.LBB2_2:
0x13: {  	p0 =	sne.s32 s1, $0x3FC0;
	[tilespmem:s0+$0x13000] =	vst v0;
	s18 =	smov.u32 s1;
	s1 =	sadd.s32 $0x40, s1  }
.Ltmp0:
0x14: {  	[tilespmem:s0+$0x12000] =	vst v0;
	(pc) =	sbr.rel @p0 .LBB2_2-.Ltmp0, $3  }
0x15: {  	[tilespmem:s0+$0x10000] =	vst v0  }
0x16: {  	[tilespmem:s0+$0x11000] =	vst v0;
	_ =	sdelay $0x1  }
0x17: {  	s0 =	sshra.s32 s18, $0x2  }
0x18: {  	[tilespmem:s0+$0x13000] =	vst v0  }
0x19: {  	[tilespmem:s0+$0x12000] =	vst v0  }
0x1a: {  	[tilespmem:s0+$0x10000] =	vst v0  }
0x1b: {  	[tilespmem:s0+$0x11000] =	vst v0  }
0x1c: {  	s18 =	simm.s32 $0x0;
	_ =	swait.ge [sflag:s8], $0x8000  }
0x1d: {  	s31 =	sand.u32 $0x7000, s18;
	s1 =	sand.u32 $0x300, s18;
	[sflag:s8] =	ssyncset.done $0x0  }
0x1e: {  	s21 =	sor.u32 s1, s31;
	[sflag:s8] =	ssyncadd.s32 $0xFFFF8000  }
0x1f: {  	v2 =	vld [tilespmem:s21+$0x80];
	_ =	sdelay $0x7  }
0x20: {  	[tilespmem:v2+s9+$0x0] =	vst.idx.add.f32.msk $0xffff, v1  }
0x21: {  	v2 =	vld [tilespmem:s21+$0x90];
	_ =	sdelay $0x6  }
0x22: {  	v3 =	vld [tilespmem:s21+$0x0]  }
0x23: {  	[tilespmem:v2+s10+$0x0] =	vst.idx.add.f32.msk $0xffff, v1  }
0x24: {  	v2 =	vld [tilespmem:s21+$0xA0];
	_ =	sdelay $0x5  }
0x25: {  	[tilespmem:v3+s9+$0x0] =	vst.idx.add.f32.msk $0xffff, v1  }
0x26: {  	v3 =	vld [tilespmem:s21+$0x10]  }
0x27: {  	[tilespmem:v2+s11+$0x0] =	vst.idx.add.f32.msk $0xffff, v1  }
0x28: {  	v2 =	vld [tilespmem:s21+$0xB0];
	_ =	sdelay $0x5  }
0x29: {  	[tilespmem:v3+s10+$0x0] =	vst.idx.add.f32.msk $0xffff, v1  }
0x2a: {  	v3 =	vld [tilespmem:s21+$0x20]  }
0x2b: {  	[tilespmem:v2+s12+$0x0] =	vst.idx.add.f32.msk $0xffff, v1  }
0x2c: {  	v2 =	vld [tilespmem:s21+$0xC0];
	_ =	sdelay $0x5  }
0x2d: {  	[tilespmem:v3+s11+$0x0] =	vst.idx.add.f32.msk $0xffff, v1  }
0x2e: {  	v3 =	vld [tilespmem:s21+$0x30]  }
0x2f: {  	[tilespmem:v2+s9+$0x0] =	vst.idx.add.f32.msk $0xffff, v1  }
0x30: {  	v2 =	vld [tilespmem:s21+$0xD0];
	_ =	sdelay $0x5  }
0x31: {  	[tilespmem:v3+s12+$0x0] =	vst.idx.add.f32.msk $0xffff, v1  }
0x32: {  	v3 =	vld [tilespmem:s21+$0x40]  }
0x33: {  	[tilespmem:v2+s10+$0x0] =	vst.idx.add.f32.msk $0xffff, v1  }
0x34: {  	v2 =	vld [tilespmem:s21+$0xE0];
	_ =	sdelay $0x5  }
0x35: {  	[tilespmem:v3+s9+$0x0] =	vst.idx.add.f32.msk $0xffff, v1  }
0x36: {  	v3 =	vld [tilespmem:s21+$0x50]  }
0x37: {  	[tilespmem:v2+s11+$0x0] =	vst.idx.add.f32.msk $0xffff, v1  }
0x38: {  	v2 =	vld [tilespmem:s21+$0xF0];
	_ =	sdelay $0x5  }
0x39: {  	[tilespmem:v3+s10+$0x0] =	vst.idx.add.f32.msk $0xffff, v1  }
0x3a: {  	v3 =	vld [tilespmem:s21+$0x60]  }
0x3b: {  	[tilespmem:v2+s12+$0x0] =	vst.idx.add.f32.msk $0xffff, v1  }
0x3c: {  	v2 =	vld [tilespmem:s21+$0x480];
	_ =	sdelay $0x5  }
0x3d: {  	[tilespmem:v3+s11+$0x0] =	vst.idx.add.f32.msk $0xffff, v1  }
0x3e: {  	v3 =	vld [tilespmem:s21+$0x70]  }
0x3f: {  	[tilespmem:v2+s9+$0x0] =	vst.idx.add.f32.msk $0xffff, v1  }
0x40: {  	v2 =	vld [tilespmem:s21+$0x490];
	_ =	sdelay $0x5  }
0x41: {  	[tilespmem:v3+s12+$0x0] =	vst.idx.add.f32.msk $0xffff, v1  }
0x42: {  	v3 =	vld [tilespmem:s21+$0x400]  }
0x43: {  	[tilespmem:v2+s10+$0x0] =	vst.idx.add.f32.msk $0xffff, v1  }
0x44: {  	v2 =	vld [tilespmem:s21+$0x4A0];
	_ =	sdelay $0x5  }
0x45: {  	[tilespmem:v3+s9+$0x0] =	vst.idx.add.f32.msk $0xffff, v1  }
0x46: {  	v3 =	vld [tilespmem:s21+$0x410]  }
0x47: {  	[tilespmem:v2+s11+$0x0] =	vst.idx.add.f32.msk $0xffff, v1  }
0x48: {  	v2 =	vld [tilespmem:s21+$0x4B0];
	_ =	sdelay $0x5  }
0x49: {  	[tilespmem:v3+s10+$0x0] =	vst.idx.add.f32.msk $0xffff, v1  }
0x4a: {  	v3 =	vld [tilespmem:s21+$0x420]  }
0x4b: {  	[tilespmem:v2+s12+$0x0] =	vst.idx.add.f32.msk $0xffff, v1  }
0x4c: {  	v2 =	vld [tilespmem:s21+$0x4C0];
	_ =	sdelay $0x5  }
0x4d: {  	[tilespmem:v3+s11+$0x0] =	vst.idx.add.f32.msk $0xffff, v1  }
0x4e: {  	v3 =	vld [tilespmem:s21+$0x430]  }
0x4f: {  	[tilespmem:v2+s9+$0x0] =	vst.idx.add.f32.msk $0xffff, v1  }
0x50: {  	v2 =	vld [tilespmem:s21+$0x4D0];
	_ =	sdelay $0x5  }
0x51: {  	[tilespmem:v3+s12+$0x0] =	vst.idx.add.f32.msk $0xffff, v1  }
0x52: {  	v3 =	vld [tilespmem:s21+$0x440]  }
0x53: {  	s19 =	simm.s32 $0x400;
	s1 =	simm.s32 $0x100;
	[tilespmem:v2+s10+$0x0] =	vst.idx.add.f32.msk $0xffff, v1  }
0x54: {  	s2 =	sand.u32 $0x7000, s19;
	s0 =	sand.u32 $0x300, s1;
	v2 =	vld [tilespmem:s21+$0x4E0]  }
0x55: {  	s20 =	sor.u32 s0, s2  }
0x56: {  	v4 =	vld [tilespmem:s20+$0x80];
	_ =	sdelay $0x1  }
0x57: {  	v5 =	vld [tilespmem:s20+$0x0];
	_ =	sdelay $0x1  }
0x58: {  	[tilespmem:v3+s9+$0x0] =	vst.idx.add.f32.msk $0xffff, v1  }
0x59: {  	v3 =	vld [tilespmem:s21+$0x450]  }
0x5a: {  	[tilespmem:v2+s11+$0x0] =	vst.idx.add.f32.msk $0xffff, v1  }
0x5b: {  	v2 =	vld [tilespmem:s21+$0x4F0]  }
0x5c: {  	[tilespmem:v4+s9+$0x0] =	vst.idx.add.f32.msk $0xffff, v1  }
0x5d: {  	v4 =	vld [tilespmem:s20+$0x90]  }
0x5e: {  	[tilespmem:v5+s9+$0x0] =	vst.idx.add.f32.msk $0xffff, v1  }
0x5f: {  	v5 =	vld [tilespmem:s20+$0x10];
	_ =	sdelay $0x1  }
0x60: {  	[tilespmem:v3+s10+$0x0] =	vst.idx.add.f32.msk $0xffff, v1  }
0x61: {  	v3 =	vld [tilespmem:s21+$0x460]  }
0x62: {  	[tilespmem:v2+s12+$0x0] =	vst.idx.add.f32.msk $0xffff, v1  }
0x63: {  	v2 =	vld [tilespmem:s21+$0x880]  }
0x64: {  	[tilespmem:v4+s10+$0x0] =	vst.idx.add.f32.msk $0xffff, v1  }
0x65: {  	v4 =	vld [tilespmem:s20+$0xA0]  }
0x66: {  	[tilespmem:v5+s10+$0x0] =	vst.idx.add.f32.msk $0xffff, v1  }
0x67: {  	v5 =	vld [tilespmem:s20+$0x20];
	_ =	sdelay $0x1  }
0x68: {  	[tilespmem:v3+s11+$0x0] =	vst.idx.add.f32.msk $0xffff, v1  }
0x69: {  	v3 =	vld [tilespmem:s21+$0x470]  }
0x6a: {  	[tilespmem:v2+s9+$0x0] =	vst.idx.add.f32.msk $0xffff, v1  }
0x6b: {  	v2 =	vld [tilespmem:s21+$0x890]  }
0x6c: {  	[tilespmem:v4+s11+$0x0] =	vst.idx.add.f32.msk $0xffff, v1  }
0x6d: {  	v4 =	vld [tilespmem:s20+$0xB0]  }
0x6e: {  	[tilespmem:v5+s11+$0x0] =	vst.idx.add.f32.msk $0xffff, v1  }
0x6f: {  	v5 =	vld [tilespmem:s20+$0x30];
	_ =	sdelay $0x1  }
0x70: {  	[tilespmem:v3+s12+$0x0] =	vst.idx.add.f32.msk $0xffff, v1  }
0x71: {  	v3 =	vld [tilespmem:s21+$0x800]  }
0x72: {  	[tilespmem:v2+s10+$0x0] =	vst.idx.add.f32.msk $0xffff, v1  }
0x73: {  	v2 =	vld [tilespmem:s21+$0x8A0]  }
0x74: {  	[tilespmem:v4+s12+$0x0] =	vst.idx.add.f32.msk $0xffff, v1  }
0x75: {  	v4 =	vld [tilespmem:s20+$0xC0]  }
0x76: {  	[tilespmem:v5+s12+$0x0] =	vst.idx.add.f32.msk $0xffff, v1  }
0x77: {  	v5 =	vld [tilespmem:s20+$0x40];
	_ =	sdelay $0x1  }
0x78: {  	[tilespmem:v3+s9+$0x0] =	vst.idx.add.f32.msk $0xffff, v1  }
0x79: {  	v3 =	vld [tilespmem:s21+$0x810]  }
0x7a: {  	[tilespmem:v2+s11+$0x0] =	vst.idx.add.f32.msk $0xffff, v1  }
0x7b: {  	v2 =	vld [tilespmem:s21+$0x8B0]  }
0x7c: {  	[tilespmem:v4+s9+$0x0] =	vst.idx.add.f32.msk $0xffff, v1  }
0x7d: {  	v4 =	vld [tilespmem:s20+$0xD0]  }
0x7e: {  	[tilespmem:v5+s9+$0x0] =	vst.idx.add.f32.msk $0xffff, v1  }
0x7f: {  	v5 =	vld [tilespmem:s20+$0x50];
	_ =	sdelay $0x1  }
0x80: {  	[tilespmem:v3+s10+$0x0] =	vst.idx.add.f32.msk $0xffff, v1  }
0x81: {  	v3 =	vld [tilespmem:s21+$0x820]  }
0x82: {  	[tilespmem:v2+s12+$0x0] =	vst.idx.add.f32.msk $0xffff, v1  }
0x83: {  	v2 =	vld [tilespmem:s21+$0x8C0]  }
0x84: {  	[tilespmem:v4+s10+$0x0] =	vst.idx.add.f32.msk $0xffff, v1  }
0x85: {  	v4 =	vld [tilespmem:s20+$0xE0]  }
0x86: {  	[tilespmem:v5+s10+$0x0] =	vst.idx.add.f32.msk $0xffff, v1  }
0x87: {  	v5 =	vld [tilespmem:s20+$0x60];
	_ =	sdelay $0x1  }
0x88: {  	[tilespmem:v3+s11+$0x0] =	vst.idx.add.f32.msk $0xffff, v1  }
0x89: {  	v3 =	vld [tilespmem:s21+$0x830]  }
0x8a: {  	[tilespmem:v2+s9+$0x0] =	vst.idx.add.f32.msk $0xffff, v1  }
0x8b: {  	v2 =	vld [tilespmem:s21+$0x8D0]  }
0x8c: {  	[tilespmem:v4+s11+$0x0] =	vst.idx.add.f32.msk $0xffff, v1  }
0x8d: {  	v4 =	vld [tilespmem:s20+$0xF0]  }
0x8e: {  	[tilespmem:v5+s11+$0x0] =	vst.idx.add.f32.msk $0xffff, v1  }
0x8f: {  	v5 =	vld [tilespmem:s20+$0x70];
	_ =	sdelay $0x1  }
0x90: {  	[tilespmem:v3+s12+$0x0] =	vst.idx.add.f32.msk $0xffff, v1  }
0x91: {  	v3 =	vld [tilespmem:s21+$0x840]  }
0x92: {  	[tilespmem:v2+s10+$0x0] =	vst.idx.add.f32.msk $0xffff, v1  }
0x93: {  	v2 =	vld [tilespmem:s21+$0x8E0]  }
0x94: {  	[tilespmem:v4+s12+$0x0] =	vst.idx.add.f32.msk $0xffff, v1  }
0x95: {  	v4 =	vld [tilespmem:s20+$0x480]  }
0x96: {  	[tilespmem:v5+s12+$0x0] =	vst.idx.add.f32.msk $0xffff, v1  }
0x97: {  	v5 =	vld [tilespmem:s20+$0x400];
	_ =	sdelay $0x1  }
0x98: {  	[tilespmem:v3+s9+$0x0] =	vst.idx.add.f32.msk $0xffff, v1  }
0x99: {  	v3 =	vld [tilespmem:s21+$0x850]  }
0x9a: {  	[tilespmem:v2+s11+$0x0] =	vst.idx.add.f32.msk $0xffff, v1  }
0x9b: {  	v2 =	vld [tilespmem:s21+$0x8F0]  }
0x9c: {  	[tilespmem:v4+s9+$0x0] =	vst.idx.add.f32.msk $0xffff, v1  }
0x9d: {  	v4 =	vld [tilespmem:s20+$0x490]  }
0x9e: {  	[tilespmem:v5+s9+$0x0] =	vst.idx.add.f32.msk $0xffff, v1  }
0x9f: {  	s7 =	sand.u32 $0x3, s18;
	v5 =	vld [tilespmem:s20+$0x410]  }
0xa0: {  	s0 =	sshll.u32 s7, $0x8  }
0xa1: {  	s0 =	sadd.s32 $0x0, s0;
	[tilespmem:v3+s10+$0x0] =	vst.idx.add.f32.msk $0xffff, v1  }
0xa2: {  	s24 =	sadd.s32 $0x80, s0;
	v3 =	vld [tilespmem:s21+$0x860]  }
0xa3: {  	s14 =	sor.u32 $0xC00, s24;
	[tilespmem:v2+s12+$0x0] =	vst.idx.add.f32.msk $0xffff, v1  }
0xa4: {  	v2 =	vld [tilespmem:s14+$0x0]  }
0xa5: {  	[tilespmem:v4+s10+$0x0] =	vst.idx.add.f32.msk $0xffff, v1  }
0xa6: {  	v4 =	vld [tilespmem:s20+$0x4A0]  }
0xa7: {  	[tilespmem:v5+s10+$0x0] =	vst.idx.add.f32.msk $0xffff, v1  }
0xa8: {  	v5 =	vld [tilespmem:s20+$0x420];
	_ =	sdelay $0x1  }
0xa9: {  	[tilespmem:v3+s11+$0x0] =	vst.idx.add.f32.msk $0xffff, v1  }
0xaa: {  	v3 =	vld [tilespmem:s21+$0x870]  }
0xab: {  	s15 =	sor.u32 $0xC10, s24;
	[tilespmem:v2+s9+$0x0] =	vst.idx.add.f32.msk $0xffff, v1  }
0xac: {  	v2 =	vld [tilespmem:s15+$0x0]  }
0xad: {  	[tilespmem:v4+s11+$0x0] =	vst.idx.add.f32.msk $0xffff, v1  }
0xae: {  	v4 =	vld [tilespmem:s20+$0x4B0]  }
0xaf: {  	[tilespmem:v5+s11+$0x0] =	vst.idx.add.f32.msk $0xffff, v1  }
0xb0: {  	v5 =	vld [tilespmem:s20+$0x430];
	_ =	sdelay $0x1  }
0xb1: {  	s21 =	sor.u32 $0xC00, s0;
	[tilespmem:v3+s12+$0x0] =	vst.idx.add.f32.msk $0xffff, v1  }
0xb2: {  	v3 =	vld [tilespmem:s21+$0x0]  }
0xb3: {  	s22 =	sor.u32 $0xC20, s24;
	[tilespmem:v2+s10+$0x0] =	vst.idx.add.f32.msk $0xffff, v1  }
0xb4: {  	v2 =	vld [tilespmem:s22+$0x0]  }
0xb5: {  	[tilespmem:v4+s12+$0x0] =	vst.idx.add.f32.msk $0xffff, v1  }
0xb6: {  	v4 =	vld [tilespmem:s20+$0x4C0]  }
0xb7: {  	[tilespmem:v5+s12+$0x0] =	vst.idx.add.f32.msk $0xffff, v1  }
0xb8: {  	v5 =	vld [tilespmem:s20+$0x440];
	_ =	sdelay $0x1  }
0xb9: {  	s23 =	sor.u32 $0xC10, s0;
	[tilespmem:v3+s9+$0x0] =	vst.idx.add.f32.msk $0xffff, v1  }
0xba: {  	v3 =	vld [tilespmem:s23+$0x0]  }
0xbb: {  	s25 =	sor.u32 $0xC30, s24;
	[tilespmem:v2+s11+$0x0] =	vst.idx.add.f32.msk $0xffff, v1  }
0xbc: {  	v2 =	vld [tilespmem:s25+$0x0]  }
0xbd: {  	[tilespmem:v4+s9+$0x0] =	vst.idx.add.f32.msk $0xffff, v1  }
0xbe: {  	v6 =	vld [tilespmem:s20+$0x4D0]  }
0xbf: {  	[tilespmem:v5+s9+$0x0] =	vst.idx.add.f32.msk $0xffff, v1  }
0xc0: {  	v4 =	vld [tilespmem:s20+$0x450];
	_ =	sdelay $0x1  }
0xc1: {  	s26 =	sor.u32 $0xC20, s0;
	[tilespmem:v3+s10+$0x0] =	vst.idx.add.f32.msk $0xffff, v1  }
0xc2: {  	v3 =	vld [tilespmem:s26+$0x0]  }
0xc3: {  	s28 =	simm.s32 $0x200;
	s29 =	simm.s32 $0x800;
	s31 =	sor.u32 $0xC40, s24;
	[tilespmem:v2+s12+$0x0] =	vst.idx.add.f32.msk $0xffff, v1  }
0xc4: {  	s30 =	sor.u32 $0xC30, s0;
	s21 =	sor.u32 $0xC70, s0;
	s23 =	sor.u32 $0xC50, s0;
	v2 =	vld [tilespmem:s31+$0x0]  }
0xc5: {  	[tilespmem:v6+s10+$0x0] =	vst.idx.add.f32.msk $0xffff, v1;
	s26 =	sor.u32 $0xC40, s0;
	s22 =	sor.u32 $0xC60, s0;
	s25 =	simm.s32 $0x2  }
.LBB2_4:
0xc6: {  	s0 =	sand.u32 $0x7000, s29;
	s1 =	sand.u32 $0x300, s28;
	s25 =	sadd.s32 $0x2, s25;
	v5 =	vld [tilespmem:s20+$0x4E0]  }
0xc7: {  	s31 =	sor.u32 s1, s0;
	p0 =	slt.u32 s25, $0x3E;
	[tilespmem:v4+s10+$0x0] =	vst.idx.add.f32.msk $0xffff, v1  }
0xc8: {  	v4 =	vld [tilespmem:s31+$0x80]  }
0xc9: {  	v6 =	vld [tilespmem:s31+$0x0]  }
0xca: {  	v7 =	vld [tilespmem:s20+$0x460]  }
0xcb: {  	[tilespmem:v3+s11+$0x0] =	vst.idx.add.f32.msk $0xffff, v1  }
0xcc: {  	s0 =	sor.u32 $0xC50, s24;
	[tilespmem:v2+s9+$0x0] =	vst.idx.add.f32.msk $0xffff, v1  }
0xcd: {  	v2 =	vld [tilespmem:s0+$0x0]  }
0xce: {  	[tilespmem:v5+s11+$0x0] =	vst.idx.add.f32.msk $0xffff, v1  }
0xcf: {  	v3 =	vld [tilespmem:s20+$0x4F0]  }
0xd0: {  	[tilespmem:v4+s9+$0x0] =	vst.idx.add.f32.msk $0xffff, v1  }
0xd1: {  	v4 =	vld [tilespmem:s31+$0x90]  }
0xd2: {  	[tilespmem:v6+s9+$0x0] =	vst.idx.add.f32.msk $0xffff, v1  }
0xd3: {  	v5 =	vld [tilespmem:s31+$0x10]  }
0xd4: {  	[tilespmem:v7+s11+$0x0] =	vst.idx.add.f32.msk $0xffff, v1  }
0xd5: {  	s0 =	sor.u32 $0xC60, s24;
	[tilespmem:v2+s10+$0x0] =	vst.idx.add.f32.msk $0xffff, v1  }
0xd6: {  	v2 =	vld [tilespmem:s0+$0x0]  }
0xd7: {  	[tilespmem:v3+s12+$0x0] =	vst.idx.add.f32.msk $0xffff, v1  }
0xd8: {  	v3 =	vld [tilespmem:s20+$0x880]  }
0xd9: {  	[tilespmem:v4+s10+$0x0] =	vst.idx.add.f32.msk $0xffff, v1  }
0xda: {  	v4 =	vld [tilespmem:s31+$0xA0]  }
0xdb: {  	[tilespmem:v5+s10+$0x0] =	vst.idx.add.f32.msk $0xffff, v1  }
0xdc: {  	v5 =	vld [tilespmem:s31+$0x20]  }
0xdd: {  	v6 =	vld [tilespmem:s20+$0x470]  }
0xde: {  	s0 =	sor.u32 $0xC70, s24;
	[tilespmem:v2+s11+$0x0] =	vst.idx.add.f32.msk $0xffff, v1  }
0xdf: {  	v2 =	vld [tilespmem:s0+$0x0]  }
0xe0: {  	[tilespmem:v3+s9+$0x0] =	vst.idx.add.f32.msk $0xffff, v1  }
0xe1: {  	v3 =	vld [tilespmem:s20+$0x890]  }
0xe2: {  	[tilespmem:v4+s11+$0x0] =	vst.idx.add.f32.msk $0xffff, v1  }
0xe3: {  	v4 =	vld [tilespmem:s31+$0xB0]  }
0xe4: {  	[tilespmem:v5+s11+$0x0] =	vst.idx.add.f32.msk $0xffff, v1  }
0xe5: {  	v5 =	vld [tilespmem:s31+$0x30]  }
0xe6: {  	[tilespmem:v6+s12+$0x0] =	vst.idx.add.f32.msk $0xffff, v1  }
0xe7: {  	[tilespmem:v2+s12+$0x0] =	vst.idx.add.f32.msk $0xffff, v1  }
0xe8: {  	v2 =	vld [tilespmem:s20+$0x800]  }
0xe9: {  	[tilespmem:v3+s10+$0x0] =	vst.idx.add.f32.msk $0xffff, v1  }
0xea: {  	v3 =	vld [tilespmem:s20+$0x8A0]  }
0xeb: {  	[tilespmem:v4+s12+$0x0] =	vst.idx.add.f32.msk $0xffff, v1  }
0xec: {  	v4 =	vld [tilespmem:s31+$0xC0]  }
0xed: {  	[tilespmem:v5+s12+$0x0] =	vst.idx.add.f32.msk $0xffff, v1  }
0xee: {  	v5 =	vld [tilespmem:s31+$0x40]  }
0xef: {  	v6 =	vld [tilespmem:s30+$0x0]  }
0xf0: {  	[tilespmem:v2+s9+$0x0] =	vst.idx.add.f32.msk $0xffff, v1  }
0xf1: {  	v2 =	vld [tilespmem:s20+$0x810]  }
0xf2: {  	[tilespmem:v3+s11+$0x0] =	vst.idx.add.f32.msk $0xffff, v1  }
0xf3: {  	v3 =	vld [tilespmem:s20+$0x8B0]  }
0xf4: {  	[tilespmem:v4+s9+$0x0] =	vst.idx.add.f32.msk $0xffff, v1  }
0xf5: {  	v4 =	vld [tilespmem:s31+$0xD0]  }
0xf6: {  	[tilespmem:v5+s9+$0x0] =	vst.idx.add.f32.msk $0xffff, v1  }
0xf7: {  	v5 =	vld [tilespmem:s31+$0x50]  }
0xf8: {  	[tilespmem:v6+s12+$0x0] =	vst.idx.add.f32.msk $0xffff, v1  }
0xf9: {  	[tilespmem:v2+s10+$0x0] =	vst.idx.add.f32.msk $0xffff, v1  }
0xfa: {  	v2 =	vld [tilespmem:s20+$0x820]  }
0xfb: {  	[tilespmem:v3+s12+$0x0] =	vst.idx.add.f32.msk $0xffff, v1  }
0xfc: {  	v3 =	vld [tilespmem:s20+$0x8C0]  }
0xfd: {  	[tilespmem:v4+s10+$0x0] =	vst.idx.add.f32.msk $0xffff, v1  }
0xfe: {  	v4 =	vld [tilespmem:s31+$0xE0]  }
0xff: {  	[tilespmem:v5+s10+$0x0] =	vst.idx.add.f32.msk $0xffff, v1  }
0x100: {  	v5 =	vld [tilespmem:s31+$0x60]  }
0x101: {  	v6 =	vld [tilespmem:s26+$0x0]  }
0x102: {  	[tilespmem:v2+s11+$0x0] =	vst.idx.add.f32.msk $0xffff, v1  }
0x103: {  	v2 =	vld [tilespmem:s20+$0x830]  }
0x104: {  	[tilespmem:v3+s9+$0x0] =	vst.idx.add.f32.msk $0xffff, v1  }
0x105: {  	v3 =	vld [tilespmem:s20+$0x8D0]  }
0x106: {  	[tilespmem:v4+s11+$0x0] =	vst.idx.add.f32.msk $0xffff, v1  }
0x107: {  	v4 =	vld [tilespmem:s31+$0xF0]  }
0x108: {  	[tilespmem:v5+s11+$0x0] =	vst.idx.add.f32.msk $0xffff, v1  }
0x109: {  	v5 =	vld [tilespmem:s31+$0x70]  }
0x10a: {  	[tilespmem:v6+s9+$0x0] =	vst.idx.add.f32.msk $0xffff, v1  }
0x10b: {  	[tilespmem:v2+s12+$0x0] =	vst.idx.add.f32.msk $0xffff, v1  }
0x10c: {  	v2 =	vld [tilespmem:s20+$0x840]  }
0x10d: {  	[tilespmem:v3+s10+$0x0] =	vst.idx.add.f32.msk $0xffff, v1  }
0x10e: {  	v3 =	vld [tilespmem:s20+$0x8E0]  }
0x10f: {  	[tilespmem:v4+s12+$0x0] =	vst.idx.add.f32.msk $0xffff, v1  }
0x110: {  	v4 =	vld [tilespmem:s31+$0x480]  }
0x111: {  	[tilespmem:v5+s12+$0x0] =	vst.idx.add.f32.msk $0xffff, v1  }
0x112: {  	v5 =	vld [tilespmem:s31+$0x400]  }
0x113: {  	v6 =	vld [tilespmem:s23+$0x0]  }
0x114: {  	[tilespmem:v2+s9+$0x0] =	vst.idx.add.f32.msk $0xffff, v1  }
0x115: {  	v2 =	vld [tilespmem:s20+$0x850]  }
0x116: {  	[tilespmem:v3+s11+$0x0] =	vst.idx.add.f32.msk $0xffff, v1  }
0x117: {  	v3 =	vld [tilespmem:s20+$0x8F0]  }
0x118: {  	[tilespmem:v4+s9+$0x0] =	vst.idx.add.f32.msk $0xffff, v1  }
0x119: {  	v4 =	vld [tilespmem:s31+$0x490]  }
0x11a: {  	s18 =	sadd.s32 $0x1, s18;
	[tilespmem:v5+s9+$0x0] =	vst.idx.add.f32.msk $0xffff, v1  }
0x11b: {  	s0 =	sand.u32 $0x3, s18;
	v5 =	vld [tilespmem:s31+$0x410]  }
0x11c: {  	s0 =	sshll.u32 s0, $0x8;
	[tilespmem:v6+s10+$0x0] =	vst.idx.add.f32.msk $0xffff, v1  }
0x11d: {  	s7 =	sadd.s32 s0, s19;
	s19 =	smov.u32 s29;
	[tilespmem:v2+s10+$0x0] =	vst.idx.add.f32.msk $0xffff, v1  }
0x11e: {  	s14 =	sor.u32 $0xC00, s7;
	s0 =	sor.u32 $0xC10, s7;
	s24 =	sadd.s32 $0x80, s7;
	v2 =	vld [tilespmem:s20+$0x860]  }
0x11f: {  	s1 =	sor.u32 $0xC20, s7;
	s15 =	sor.u32 $0xC00, s24;
	s30 =	sor.u32 $0xC30, s7;
	[tilespmem:v3+s12+$0x0] =	vst.idx.add.f32.msk $0xffff, v1  }
0x120: {  	s2 =	sor.u32 $0xC60, s7;
	s26 =	sor.u32 $0xC40, s7;
	s23 =	sor.u32 $0xC50, s7;
	v3 =	vld [tilespmem:s15+$0x0]  }
0x121: {  	s7 =	sor.u32 $0xC70, s7;
	[tilespmem:v4+s10+$0x0] =	vst.idx.add.f32.msk $0xffff, v1  }
0x122: {  	v4 =	vld [tilespmem:s31+$0x4A0]  }
0x123: {  	[tilespmem:v5+s10+$0x0] =	vst.idx.add.f32.msk $0xffff, v1  }
0x124: {  	v5 =	vld [tilespmem:s31+$0x420]  }
0x125: {  	v6 =	vld [tilespmem:s22+$0x0];
	s22 =	smov.u32 s2  }
0x126: {  	[tilespmem:v2+s11+$0x0] =	vst.idx.add.f32.msk $0xffff, v1  }
0x127: {  	v2 =	vld [tilespmem:s20+$0x870];
	s20 =	smov.u32 s31  }
0x128: {  	s2 =	sor.u32 $0xC10, s24;
	[tilespmem:v3+s9+$0x0] =	vst.idx.add.f32.msk $0xffff, v1  }
0x129: {  	v3 =	vld [tilespmem:s2+$0x0]  }
0x12a: {  	[tilespmem:v4+s11+$0x0] =	vst.idx.add.f32.msk $0xffff, v1  }
0x12b: {  	v4 =	vld [tilespmem:s20+$0x4B0]  }
0x12c: {  	[tilespmem:v5+s11+$0x0] =	vst.idx.add.f32.msk $0xffff, v1  }
0x12d: {  	v5 =	vld [tilespmem:s20+$0x430]  }
0x12e: {  	[tilespmem:v6+s11+$0x0] =	vst.idx.add.f32.msk $0xffff, v1  }
0x12f: {  	[tilespmem:v2+s12+$0x0] =	vst.idx.add.f32.msk $0xffff, v1  }
0x130: {  	v2 =	vld [tilespmem:s14+$0x0]  }
0x131: {  	s2 =	sor.u32 $0xC20, s24;
	[tilespmem:v3+s10+$0x0] =	vst.idx.add.f32.msk $0xffff, v1  }
0x132: {  	v3 =	vld [tilespmem:s2+$0x0]  }
0x133: {  	[tilespmem:v4+s12+$0x0] =	vst.idx.add.f32.msk $0xffff, v1  }
0x134: {  	v4 =	vld [tilespmem:s20+$0x4C0]  }
0x135: {  	[tilespmem:v5+s12+$0x0] =	vst.idx.add.f32.msk $0xffff, v1  }
0x136: {  	v5 =	vld [tilespmem:s20+$0x440]  }
0x137: {  	v6 =	vld [tilespmem:s21+$0x0];
	s21 =	smov.u32 s7  }
0x138: {  	[tilespmem:v2+s9+$0x0] =	vst.idx.add.f32.msk $0xffff, v1  }
0x139: {  	v2 =	vld [tilespmem:s0+$0x0]  }
0x13a: {  	s0 =	sor.u32 $0xC30, s24;
	[tilespmem:v3+s11+$0x0] =	vst.idx.add.f32.msk $0xffff, v1  }
0x13b: {  	v7 =	vld [tilespmem:s0+$0x0]  }
0x13c: {  	[tilespmem:v4+s9+$0x0] =	vst.idx.add.f32.msk $0xffff, v1  }
0x13d: {  	v8 =	vld [tilespmem:s20+$0x4D0]  }
0x13e: {  	[tilespmem:v5+s9+$0x0] =	vst.idx.add.f32.msk $0xffff, v1  }
0x13f: {  	v4 =	vld [tilespmem:s20+$0x450]  }
0x140: {  	[tilespmem:v6+s12+$0x0] =	vst.idx.add.f32.msk $0xffff, v1  }
.Ltmp1:
0x141: {  	[tilespmem:v2+s10+$0x0] =	vst.idx.add.f32.msk $0xffff, v1;
	(pc) =	sbr.rel @p0 .LBB2_4-.Ltmp1, $4  }
0x142: {  	v3 =	vld [tilespmem:s1+$0x0]  }
0x143: {  	s0 =	sor.u32 $0xC40, s24;
	[tilespmem:v7+s12+$0x0] =	vst.idx.add.f32.msk $0xffff, v1  }
0x144: {  	v2 =	vld [tilespmem:s0+$0x0]  }
0x145: {  	s28 =	sadd.s32 $0x100, s28;
	s29 =	sadd.s32 $0x400, s29;
	[tilespmem:v8+s10+$0x0] =	vst.idx.add.f32.msk $0xffff, v1  }
0x146: {  	_ =	sdelay $0x2  }
0x147: {  	v5 =	vld [tilespmem:s20+$0x4E0]  }
0x148: {  	[tilespmem:v4+s10+$0x0] =	vst.idx.add.f32.msk $0xffff, v1  }
0x149: {  	v4 =	vld [tilespmem:s20+$0x460];
	_ =	sdelay $0x5  }
0x14a: {  	[tilespmem:v5+s11+$0x0] =	vst.idx.add.f32.msk $0xffff, v1  }
0x14b: {  	v5 =	vld [tilespmem:s20+$0x4F0]  }
0x14c: {  	[tilespmem:v4+s11+$0x0] =	vst.idx.add.f32.msk $0xffff, v1  }
0x14d: {  	v4 =	vld [tilespmem:s20+$0x470];
	_ =	sdelay $0x5  }
0x14e: {  	[tilespmem:v5+s12+$0x0] =	vst.idx.add.f32.msk $0xffff, v1  }
0x14f: {  	v5 =	vld [tilespmem:s20+$0x880]  }
0x150: {  	[tilespmem:v4+s12+$0x0] =	vst.idx.add.f32.msk $0xffff, v1  }
0x151: {  	v4 =	vld [tilespmem:s20+$0x800];
	_ =	sdelay $0x5  }
0x152: {  	[tilespmem:v5+s9+$0x0] =	vst.idx.add.f32.msk $0xffff, v1  }
0x153: {  	v5 =	vld [tilespmem:s20+$0x890]  }
0x154: {  	[tilespmem:v4+s9+$0x0] =	vst.idx.add.f32.msk $0xffff, v1  }
0x155: {  	v4 =	vld [tilespmem:s20+$0x810];
	_ =	sdelay $0x5  }
0x156: {  	[tilespmem:v5+s10+$0x0] =	vst.idx.add.f32.msk $0xffff, v1  }
0x157: {  	v5 =	vld [tilespmem:s20+$0x8A0]  }
0x158: {  	[tilespmem:v4+s10+$0x0] =	vst.idx.add.f32.msk $0xffff, v1  }
0x159: {  	v4 =	vld [tilespmem:s20+$0x820];
	_ =	sdelay $0x5  }
0x15a: {  	[tilespmem:v5+s11+$0x0] =	vst.idx.add.f32.msk $0xffff, v1  }
0x15b: {  	v5 =	vld [tilespmem:s20+$0x8B0]  }
0x15c: {  	[tilespmem:v4+s11+$0x0] =	vst.idx.add.f32.msk $0xffff, v1  }
0x15d: {  	v4 =	vld [tilespmem:s20+$0x830];
	_ =	sdelay $0x5  }
0x15e: {  	[tilespmem:v5+s12+$0x0] =	vst.idx.add.f32.msk $0xffff, v1  }
0x15f: {  	v5 =	vld [tilespmem:s20+$0x8C0]  }
0x160: {  	[tilespmem:v4+s12+$0x0] =	vst.idx.add.f32.msk $0xffff, v1  }
0x161: {  	v4 =	vld [tilespmem:s20+$0x840];
	_ =	sdelay $0x5  }
0x162: {  	[tilespmem:v5+s9+$0x0] =	vst.idx.add.f32.msk $0xffff, v1  }
0x163: {  	v5 =	vld [tilespmem:s20+$0x8D0]  }
0x164: {  	[tilespmem:v4+s9+$0x0] =	vst.idx.add.f32.msk $0xffff, v1  }
0x165: {  	v4 =	vld [tilespmem:s20+$0x850];
	_ =	sdelay $0x5  }
0x166: {  	[tilespmem:v5+s10+$0x0] =	vst.idx.add.f32.msk $0xffff, v1  }
0x167: {  	v5 =	vld [tilespmem:s20+$0x8E0]  }
0x168: {  	[tilespmem:v4+s10+$0x0] =	vst.idx.add.f32.msk $0xffff, v1  }
0x169: {  	v4 =	vld [tilespmem:s20+$0x860];
	_ =	sdelay $0x5  }
0x16a: {  	[tilespmem:v5+s11+$0x0] =	vst.idx.add.f32.msk $0xffff, v1  }
0x16b: {  	v5 =	vld [tilespmem:s20+$0x8F0]  }
0x16c: {  	[tilespmem:v4+s11+$0x0] =	vst.idx.add.f32.msk $0xffff, v1  }
0x16d: {  	v4 =	vld [tilespmem:s20+$0x870]  }
0x16e: {  	s0 =	sadd.s32 $0x1, s18  }
0x16f: {  	s0 =	sand.u32 $0x3, s0  }
0x170: {  	s0 =	sshll.u32 s0, $0x8  }
0x171: {  	s0 =	sadd.s32 s0, s19  }
0x172: {  	s1 =	sadd.s32 $0x80, s0  }
0x173: {  	s2 =	sor.u32 $0xC00, s1;
	[tilespmem:v5+s12+$0x0] =	vst.idx.add.f32.msk $0xffff, v1  }
0x174: {  	v5 =	vld [tilespmem:s2+$0x0]  }
0x175: {  	s14 =	sor.u32 $0xC00, s0;
	[tilespmem:v4+s12+$0x0] =	vst.idx.add.f32.msk $0xffff, v1  }
0x176: {  	v4 =	vld [tilespmem:s14+$0x0];
	_ =	sdelay $0x5  }
0x177: {  	s15 =	sor.u32 $0xC10, s1;
	[tilespmem:v5+s9+$0x0] =	vst.idx.add.f32.msk $0xffff, v1  }
0x178: {  	v5 =	vld [tilespmem:s15+$0x0]  }
0x179: {  	s18 =	sor.u32 $0xC10, s0;
	[tilespmem:v4+s9+$0x0] =	vst.idx.add.f32.msk $0xffff, v1  }
0x17a: {  	v4 =	vld [tilespmem:s18+$0x0];
	_ =	sdelay $0x5  }
0x17b: {  	s19 =	sor.u32 $0xC20, s1;
	[tilespmem:v5+s10+$0x0] =	vst.idx.add.f32.msk $0xffff, v1  }
0x17c: {  	v5 =	vld [tilespmem:s19+$0x0]  }
0x17d: {  	s20 =	sor.u32 $0xC20, s0;
	[tilespmem:v4+s10+$0x0] =	vst.idx.add.f32.msk $0xffff, v1  }
0x17e: {  	v4 =	vld [tilespmem:s20+$0x0];
	_ =	sdelay $0x1  }
0x17f: {  	[tilespmem:v3+s11+$0x0] =	vst.idx.add.f32.msk $0xffff, v1  }
0x180: {  	v3 =	vld [tilespmem:s30+$0x0];
	_ =	sdelay $0x2  }
0x181: {  	s25 =	sor.u32 $0xC30, s1;
	[tilespmem:v5+s11+$0x0] =	vst.idx.add.f32.msk $0xffff, v1  }
0x182: {  	v5 =	vld [tilespmem:s25+$0x0]  }
0x183: {  	s31 =	sor.u32 $0xC30, s0;
	[tilespmem:v4+s11+$0x0] =	vst.idx.add.f32.msk $0xffff, v1  }
0x184: {  	v4 =	vld [tilespmem:s31+$0x0];
	_ =	sdelay $0x1  }
0x185: {  	[tilespmem:v3+s12+$0x0] =	vst.idx.add.f32.msk $0xffff, v1  }
0x186: {  	v3 =	vld [tilespmem:s26+$0x0];
	_ =	sdelay $0x2  }
0x187: {  	s7 =	sor.u32 $0xC40, s1;
	[tilespmem:v5+s12+$0x0] =	vst.idx.add.f32.msk $0xffff, v1  }
0x188: {  	v5 =	vld [tilespmem:s7+$0x0]  }
0x189: {  	s14 =	sor.u32 $0xC40, s0;
	[tilespmem:v4+s12+$0x0] =	vst.idx.add.f32.msk $0xffff, v1  }
0x18a: {  	v4 =	vld [tilespmem:s14+$0x0];
	_ =	sdelay $0x1  }
0x18b: {  	[tilespmem:v3+s9+$0x0] =	vst.idx.add.f32.msk $0xffff, v1  }
0x18c: {  	v3 =	vld [tilespmem:s23+$0x0]  }
0x18d: {  	[tilespmem:v2+s9+$0x0] =	vst.idx.add.f32.msk $0xffff, v1;
	s15 =	sor.u32 $0xC50, s24  }
0x18e: {  	v2 =	vld [tilespmem:s15+$0x0]  }
0x18f: {  	s18 =	sor.u32 $0xC50, s1;
	[tilespmem:v5+s9+$0x0] =	vst.idx.add.f32.msk $0xffff, v1  }
0x190: {  	v5 =	vld [tilespmem:s18+$0x0]  }
0x191: {  	s19 =	sor.u32 $0xC50, s0;
	[tilespmem:v4+s9+$0x0] =	vst.idx.add.f32.msk $0xffff, v1  }
0x192: {  	v4 =	vld [tilespmem:s19+$0x0];
	_ =	sdelay $0x1  }
0x193: {  	[tilespmem:v3+s10+$0x0] =	vst.idx.add.f32.msk $0xffff, v1  }
0x194: {  	v3 =	vld [tilespmem:s22+$0x0]  }
0x195: {  	[tilespmem:v2+s10+$0x0] =	vst.idx.add.f32.msk $0xffff, v1;
	s20 =	sor.u32 $0xC60, s24  }
0x196: {  	v2 =	vld [tilespmem:s20+$0x0]  }
0x197: {  	s22 =	sor.u32 $0xC60, s1;
	[tilespmem:v5+s10+$0x0] =	vst.idx.add.f32.msk $0xffff, v1  }
0x198: {  	v5 =	vld [tilespmem:s22+$0x0]  }
0x199: {  	s23 =	sor.u32 $0xC60, s0;
	[tilespmem:v4+s10+$0x0] =	vst.idx.add.f32.msk $0xffff, v1  }
0x19a: {  	v4 =	vld [tilespmem:s23+$0x0];
	_ =	sdelay $0x1  }
0x19b: {  	[tilespmem:v3+s11+$0x0] =	vst.idx.add.f32.msk $0xffff, v1  }
0x19c: {  	v3 =	vld [tilespmem:s21+$0x0]  }
0x19d: {  	s24 =	sor.u32 $0xC70, s24;
	[tilespmem:v2+s11+$0x0] =	vst.idx.add.f32.msk $0xffff, v1  }
0x19e: {  	v2 =	vld [tilespmem:s24+$0x0]  }
0x19f: {  	s1 =	sor.u32 $0xC70, s1;
	[tilespmem:v5+s11+$0x0] =	vst.idx.add.f32.msk $0xffff, v1  }
0x1a0: {  	v5 =	vld [tilespmem:s1+$0x0]  }
0x1a1: {  	s0 =	sor.u32 $0xC70, s0;
	[tilespmem:v4+s11+$0x0] =	vst.idx.add.f32.msk $0xffff, v1  }
0x1a2: {  	v4 =	vld [tilespmem:s0+$0x0];
	_ =	sdelay $0x4  }
0x1a3: {  	[tilespmem:v3+s12+$0x0] =	vst.idx.add.f32.msk $0xffff, v1  }
0x1a4: {  	[tilespmem:v2+s12+$0x0] =	vst.idx.add.f32.msk $0xffff, v1  }
0x1a5: {  	[tilespmem:v5+s12+$0x0] =	vst.idx.add.f32.msk $0xffff, v1  }
0x1a6: {  	[tilespmem:v4+s12+$0x0] =	vst.idx.add.f32.msk $0xffff, v1  }
0x1a7: {  	s26 =	simm.s32 $0x8000;
	s25 =	simm.s32 $0x2000;
	_ =	swait.ge [sflag:s13], $0x8000  }
0x1a8: {  	s1 =	sand.u32 $0xF000, s26;
	s0 =	sand.u32 $0x300, s25;
	[sflag:s13] =	ssyncset.done $0x0  }
0x1a9: {  	s31 =	sor.u32 s0, s1;
	[sflag:s13] =	ssyncadd.s32 $0xFFFF8000  }
0x1aa: {  	v2 =	vld [tilespmem:s31+$0x80];
	_ =	sdelay $0x7  }
0x1ab: {  	[tilespmem:v2+s9+$0x0] =	vst.idx.add.f32.msk $0xffff, v1  }
0x1ac: {  	v2 =	vld [tilespmem:s31+$0x90];
	_ =	sdelay $0x6  }
0x1ad: {  	v3 =	vld [tilespmem:s31+$0x0]  }
0x1ae: {  	[tilespmem:v2+s10+$0x0] =	vst.idx.add.f32.msk $0xffff, v1  }
0x1af: {  	v2 =	vld [tilespmem:s31+$0xA0];
	_ =	sdelay $0x5  }
0x1b0: {  	[tilespmem:v3+s9+$0x0] =	vst.idx.add.f32.msk $0xffff, v1  }
0x1b1: {  	v3 =	vld [tilespmem:s31+$0x10]  }
0x1b2: {  	[tilespmem:v2+s11+$0x0] =	vst.idx.add.f32.msk $0xffff, v1  }
0x1b3: {  	v2 =	vld [tilespmem:s31+$0xB0];
	_ =	sdelay $0x5  }
0x1b4: {  	[tilespmem:v3+s10+$0x0] =	vst.idx.add.f32.msk $0xffff, v1  }
0x1b5: {  	v3 =	vld [tilespmem:s31+$0x20]  }
0x1b6: {  	[tilespmem:v2+s12+$0x0] =	vst.idx.add.f32.msk $0xffff, v1  }
0x1b7: {  	v2 =	vld [tilespmem:s31+$0xC0];
	_ =	sdelay $0x5  }
0x1b8: {  	[tilespmem:v3+s11+$0x0] =	vst.idx.add.f32.msk $0xffff, v1  }
0x1b9: {  	v3 =	vld [tilespmem:s31+$0x30]  }
0x1ba: {  	[tilespmem:v2+s9+$0x0] =	vst.idx.add.f32.msk $0xffff, v1  }
0x1bb: {  	v2 =	vld [tilespmem:s31+$0xD0];
	_ =	sdelay $0x5  }
0x1bc: {  	[tilespmem:v3+s12+$0x0] =	vst.idx.add.f32.msk $0xffff, v1  }
0x1bd: {  	v3 =	vld [tilespmem:s31+$0x40]  }
0x1be: {  	[tilespmem:v2+s10+$0x0] =	vst.idx.add.f32.msk $0xffff, v1  }
0x1bf: {  	v2 =	vld [tilespmem:s31+$0xE0];
	_ =	sdelay $0x5  }
0x1c0: {  	[tilespmem:v3+s9+$0x0] =	vst.idx.add.f32.msk $0xffff, v1  }
0x1c1: {  	v3 =	vld [tilespmem:s31+$0x50]  }
0x1c2: {  	[tilespmem:v2+s11+$0x0] =	vst.idx.add.f32.msk $0xffff, v1  }
0x1c3: {  	v2 =	vld [tilespmem:s31+$0xF0];
	_ =	sdelay $0x5  }
0x1c4: {  	[tilespmem:v3+s10+$0x0] =	vst.idx.add.f32.msk $0xffff, v1  }
0x1c5: {  	v3 =	vld [tilespmem:s31+$0x60]  }
0x1c6: {  	[tilespmem:v2+s12+$0x0] =	vst.idx.add.f32.msk $0xffff, v1  }
0x1c7: {  	v2 =	vld [tilespmem:s31+$0x480];
	_ =	sdelay $0x5  }
0x1c8: {  	[tilespmem:v3+s11+$0x0] =	vst.idx.add.f32.msk $0xffff, v1  }
0x1c9: {  	v3 =	vld [tilespmem:s31+$0x70]  }
0x1ca: {  	[tilespmem:v2+s9+$0x0] =	vst.idx.add.f32.msk $0xffff, v1  }
0x1cb: {  	v2 =	vld [tilespmem:s31+$0x490];
	_ =	sdelay $0x5  }
0x1cc: {  	[tilespmem:v3+s12+$0x0] =	vst.idx.add.f32.msk $0xffff, v1  }
0x1cd: {  	v3 =	vld [tilespmem:s31+$0x400]  }
0x1ce: {  	[tilespmem:v2+s10+$0x0] =	vst.idx.add.f32.msk $0xffff, v1  }
0x1cf: {  	v2 =	vld [tilespmem:s31+$0x4A0];
	_ =	sdelay $0x5  }
0x1d0: {  	[tilespmem:v3+s9+$0x0] =	vst.idx.add.f32.msk $0xffff, v1  }
0x1d1: {  	v3 =	vld [tilespmem:s31+$0x410]  }
0x1d2: {  	[tilespmem:v2+s11+$0x0] =	vst.idx.add.f32.msk $0xffff, v1  }
0x1d3: {  	v2 =	vld [tilespmem:s31+$0x4B0];
	_ =	sdelay $0x5  }
0x1d4: {  	[tilespmem:v3+s10+$0x0] =	vst.idx.add.f32.msk $0xffff, v1  }
0x1d5: {  	v3 =	vld [tilespmem:s31+$0x420]  }
0x1d6: {  	[tilespmem:v2+s12+$0x0] =	vst.idx.add.f32.msk $0xffff, v1  }
0x1d7: {  	v2 =	vld [tilespmem:s31+$0x4C0];
	_ =	sdelay $0x5  }
0x1d8: {  	[tilespmem:v3+s11+$0x0] =	vst.idx.add.f32.msk $0xffff, v1  }
0x1d9: {  	v3 =	vld [tilespmem:s31+$0x430]  }
0x1da: {  	[tilespmem:v2+s9+$0x0] =	vst.idx.add.f32.msk $0xffff, v1  }
0x1db: {  	v2 =	vld [tilespmem:s31+$0x4D0];
	_ =	sdelay $0x5  }
0x1dc: {  	[tilespmem:v3+s12+$0x0] =	vst.idx.add.f32.msk $0xffff, v1  }
0x1dd: {  	v3 =	vld [tilespmem:s31+$0x440]  }
0x1de: {  	s2 =	simm.s32 $0x2100;
	s7 =	simm.s32 $0x8400;
	[tilespmem:v2+s10+$0x0] =	vst.idx.add.f32.msk $0xffff, v1  }
0x1df: {  	s1 =	sand.u32 $0xF000, s7;
	s0 =	sand.u32 $0x300, s2;
	v2 =	vld [tilespmem:s31+$0x4E0]  }
0x1e0: {  	s18 =	sor.u32 s0, s1  }
0x1e1: {  	v4 =	vld [tilespmem:s18+$0x80];
	_ =	sdelay $0x1  }
0x1e2: {  	v5 =	vld [tilespmem:s18+$0x0];
	_ =	sdelay $0x1  }
0x1e3: {  	[tilespmem:v3+s9+$0x0] =	vst.idx.add.f32.msk $0xffff, v1  }
0x1e4: {  	v3 =	vld [tilespmem:s31+$0x450]  }
0x1e5: {  	[tilespmem:v2+s11+$0x0] =	vst.idx.add.f32.msk $0xffff, v1  }
0x1e6: {  	v2 =	vld [tilespmem:s31+$0x4F0]  }
0x1e7: {  	[tilespmem:v4+s9+$0x0] =	vst.idx.add.f32.msk $0xffff, v1  }
0x1e8: {  	v4 =	vld [tilespmem:s18+$0x90]  }
0x1e9: {  	[tilespmem:v5+s9+$0x0] =	vst.idx.add.f32.msk $0xffff, v1  }
0x1ea: {  	v5 =	vld [tilespmem:s18+$0x10];
	_ =	sdelay $0x1  }
0x1eb: {  	[tilespmem:v3+s10+$0x0] =	vst.idx.add.f32.msk $0xffff, v1  }
0x1ec: {  	v3 =	vld [tilespmem:s31+$0x460]  }
0x1ed: {  	[tilespmem:v2+s12+$0x0] =	vst.idx.add.f32.msk $0xffff, v1  }
0x1ee: {  	v2 =	vld [tilespmem:s31+$0x880]  }
0x1ef: {  	[tilespmem:v4+s10+$0x0] =	vst.idx.add.f32.msk $0xffff, v1  }
0x1f0: {  	v4 =	vld [tilespmem:s18+$0xA0]  }
0x1f1: {  	[tilespmem:v5+s10+$0x0] =	vst.idx.add.f32.msk $0xffff, v1  }
0x1f2: {  	v5 =	vld [tilespmem:s18+$0x20];
	_ =	sdelay $0x1  }
0x1f3: {  	[tilespmem:v3+s11+$0x0] =	vst.idx.add.f32.msk $0xffff, v1  }
0x1f4: {  	v3 =	vld [tilespmem:s31+$0x470]  }
0x1f5: {  	[tilespmem:v2+s9+$0x0] =	vst.idx.add.f32.msk $0xffff, v1  }
0x1f6: {  	v2 =	vld [tilespmem:s31+$0x890]  }
0x1f7: {  	[tilespmem:v4+s11+$0x0] =	vst.idx.add.f32.msk $0xffff, v1  }
0x1f8: {  	v4 =	vld [tilespmem:s18+$0xB0]  }
0x1f9: {  	[tilespmem:v5+s11+$0x0] =	vst.idx.add.f32.msk $0xffff, v1  }
0x1fa: {  	v5 =	vld [tilespmem:s18+$0x30];
	_ =	sdelay $0x1  }
0x1fb: {  	[tilespmem:v3+s12+$0x0] =	vst.idx.add.f32.msk $0xffff, v1  }
0x1fc: {  	v3 =	vld [tilespmem:s31+$0x800]  }
0x1fd: {  	[tilespmem:v2+s10+$0x0] =	vst.idx.add.f32.msk $0xffff, v1  }
0x1fe: {  	v2 =	vld [tilespmem:s31+$0x8A0]  }
0x1ff: {  	[tilespmem:v4+s12+$0x0] =	vst.idx.add.f32.msk $0xffff, v1  }
0x200: {  	v4 =	vld [tilespmem:s18+$0xC0]  }
0x201: {  	[tilespmem:v5+s12+$0x0] =	vst.idx.add.f32.msk $0xffff, v1  }
0x202: {  	v5 =	vld [tilespmem:s18+$0x40];
	_ =	sdelay $0x1  }
0x203: {  	[tilespmem:v3+s9+$0x0] =	vst.idx.add.f32.msk $0xffff, v1  }
0x204: {  	v3 =	vld [tilespmem:s31+$0x810]  }
0x205: {  	[tilespmem:v2+s11+$0x0] =	vst.idx.add.f32.msk $0xffff, v1  }
0x206: {  	v2 =	vld [tilespmem:s31+$0x8B0]  }
0x207: {  	[tilespmem:v4+s9+$0x0] =	vst.idx.add.f32.msk $0xffff, v1  }
0x208: {  	v4 =	vld [tilespmem:s18+$0xD0]  }
0x209: {  	[tilespmem:v5+s9+$0x0] =	vst.idx.add.f32.msk $0xffff, v1  }
0x20a: {  	v5 =	vld [tilespmem:s18+$0x50];
	_ =	sdelay $0x1  }
0x20b: {  	[tilespmem:v3+s10+$0x0] =	vst.idx.add.f32.msk $0xffff, v1  }
0x20c: {  	v3 =	vld [tilespmem:s31+$0x820]  }
0x20d: {  	[tilespmem:v2+s12+$0x0] =	vst.idx.add.f32.msk $0xffff, v1  }
0x20e: {  	v2 =	vld [tilespmem:s31+$0x8C0]  }
0x20f: {  	[tilespmem:v4+s10+$0x0] =	vst.idx.add.f32.msk $0xffff, v1  }
0x210: {  	v4 =	vld [tilespmem:s18+$0xE0]  }
0x211: {  	[tilespmem:v5+s10+$0x0] =	vst.idx.add.f32.msk $0xffff, v1  }
0x212: {  	v5 =	vld [tilespmem:s18+$0x60];
	_ =	sdelay $0x1  }
0x213: {  	[tilespmem:v3+s11+$0x0] =	vst.idx.add.f32.msk $0xffff, v1  }
0x214: {  	v3 =	vld [tilespmem:s31+$0x830]  }
0x215: {  	[tilespmem:v2+s9+$0x0] =	vst.idx.add.f32.msk $0xffff, v1  }
0x216: {  	v2 =	vld [tilespmem:s31+$0x8D0]  }
0x217: {  	[tilespmem:v4+s11+$0x0] =	vst.idx.add.f32.msk $0xffff, v1  }
0x218: {  	v4 =	vld [tilespmem:s18+$0xF0]  }
0x219: {  	[tilespmem:v5+s11+$0x0] =	vst.idx.add.f32.msk $0xffff, v1  }
0x21a: {  	v5 =	vld [tilespmem:s18+$0x70];
	_ =	sdelay $0x1  }
0x21b: {  	[tilespmem:v3+s12+$0x0] =	vst.idx.add.f32.msk $0xffff, v1  }
0x21c: {  	v3 =	vld [tilespmem:s31+$0x840]  }
0x21d: {  	[tilespmem:v2+s10+$0x0] =	vst.idx.add.f32.msk $0xffff, v1  }
0x21e: {  	v2 =	vld [tilespmem:s31+$0x8E0]  }
0x21f: {  	[tilespmem:v4+s12+$0x0] =	vst.idx.add.f32.msk $0xffff, v1  }
0x220: {  	v4 =	vld [tilespmem:s18+$0x480]  }
0x221: {  	[tilespmem:v5+s12+$0x0] =	vst.idx.add.f32.msk $0xffff, v1  }
0x222: {  	v5 =	vld [tilespmem:s18+$0x400];
	_ =	sdelay $0x1  }
0x223: {  	[tilespmem:v3+s9+$0x0] =	vst.idx.add.f32.msk $0xffff, v1  }
0x224: {  	v3 =	vld [tilespmem:s31+$0x850]  }
0x225: {  	[tilespmem:v2+s11+$0x0] =	vst.idx.add.f32.msk $0xffff, v1  }
0x226: {  	v2 =	vld [tilespmem:s31+$0x8F0]  }
0x227: {  	[tilespmem:v4+s9+$0x0] =	vst.idx.add.f32.msk $0xffff, v1  }
0x228: {  	v4 =	vld [tilespmem:s18+$0x490]  }
0x229: {  	s21 =	simm.s32 $0x0;
	[tilespmem:v5+s9+$0x0] =	vst.idx.add.f32.msk $0xffff, v1  }
0x22a: {  	s14 =	sand.u32 $0x3, s21;
	v5 =	vld [tilespmem:s18+$0x410]  }
0x22b: {  	s0 =	sshll.u32 s14, $0x8  }
0x22c: {  	s0 =	sadd.s32 $0x0, s0;
	[tilespmem:v3+s10+$0x0] =	vst.idx.add.f32.msk $0xffff, v1  }
0x22d: {  	s24 =	sadd.s32 $0x8080, s0;
	v3 =	vld [tilespmem:s31+$0x860]  }
0x22e: {  	s15 =	sor.u32 $0xC00, s24;
	[tilespmem:v2+s12+$0x0] =	vst.idx.add.f32.msk $0xffff, v1  }
0x22f: {  	v2 =	vld [tilespmem:s15+$0x0]  }
0x230: {  	[tilespmem:v4+s10+$0x0] =	vst.idx.add.f32.msk $0xffff, v1  }
0x231: {  	v4 =	vld [tilespmem:s18+$0x4A0]  }
0x232: {  	[tilespmem:v5+s10+$0x0] =	vst.idx.add.f32.msk $0xffff, v1  }
0x233: {  	v5 =	vld [tilespmem:s18+$0x420];
	_ =	sdelay $0x1  }
0x234: {  	[tilespmem:v3+s11+$0x0] =	vst.idx.add.f32.msk $0xffff, v1  }
0x235: {  	v3 =	vld [tilespmem:s31+$0x870]  }
0x236: {  	s19 =	sor.u32 $0xC10, s24;
	[tilespmem:v2+s9+$0x0] =	vst.idx.add.f32.msk $0xffff, v1  }
0x237: {  	v2 =	vld [tilespmem:s19+$0x0]  }
0x238: {  	[tilespmem:v4+s11+$0x0] =	vst.idx.add.f32.msk $0xffff, v1  }
0x239: {  	v4 =	vld [tilespmem:s18+$0x4B0]  }
0x23a: {  	[tilespmem:v5+s11+$0x0] =	vst.idx.add.f32.msk $0xffff, v1  }
0x23b: {  	v5 =	vld [tilespmem:s18+$0x430]  }
0x23c: {  	s0 =	sadd.s32 $0x8000, s0  }
0x23d: {  	s20 =	sor.u32 $0xC00, s0;
	[tilespmem:v3+s12+$0x0] =	vst.idx.add.f32.msk $0xffff, v1  }
0x23e: {  	v3 =	vld [tilespmem:s20+$0x0]  }
0x23f: {  	s22 =	sor.u32 $0xC20, s24;
	[tilespmem:v2+s10+$0x0] =	vst.idx.add.f32.msk $0xffff, v1  }
0x240: {  	v2 =	vld [tilespmem:s22+$0x0]  }
0x241: {  	[tilespmem:v4+s12+$0x0] =	vst.idx.add.f32.msk $0xffff, v1  }
0x242: {  	v4 =	vld [tilespmem:s18+$0x4C0]  }
0x243: {  	[tilespmem:v5+s12+$0x0] =	vst.idx.add.f32.msk $0xffff, v1  }
0x244: {  	v5 =	vld [tilespmem:s18+$0x440];
	_ =	sdelay $0x1  }
0x245: {  	s23 =	sor.u32 $0xC10, s0;
	[tilespmem:v3+s9+$0x0] =	vst.idx.add.f32.msk $0xffff, v1  }
0x246: {  	v3 =	vld [tilespmem:s23+$0x0]  }
0x247: {  	s25 =	sor.u32 $0xC30, s24;
	[tilespmem:v2+s11+$0x0] =	vst.idx.add.f32.msk $0xffff, v1  }
0x248: {  	v2 =	vld [tilespmem:s25+$0x0]  }
0x249: {  	[tilespmem:v4+s9+$0x0] =	vst.idx.add.f32.msk $0xffff, v1  }
0x24a: {  	v6 =	vld [tilespmem:s18+$0x4D0]  }
0x24b: {  	[tilespmem:v5+s9+$0x0] =	vst.idx.add.f32.msk $0xffff, v1  }
0x24c: {  	v4 =	vld [tilespmem:s18+$0x450];
	_ =	sdelay $0x1  }
0x24d: {  	s26 =	sor.u32 $0xC20, s0;
	[tilespmem:v3+s10+$0x0] =	vst.idx.add.f32.msk $0xffff, v1  }
0x24e: {  	s28 =	simm.s32 $0x2200;
	v3 =	vld [tilespmem:s26+$0x0]  }
0x24f: {  	s29 =	simm.s32 $0x8800;
	s30 =	sor.u32 $0xC30, s0;
	s31 =	sor.u32 $0xC40, s24;
	[tilespmem:v2+s12+$0x0] =	vst.idx.add.f32.msk $0xffff, v1  }
0x250: {  	s20 =	sor.u32 $0xC60, s0;
	s19 =	sor.u32 $0xC70, s0;
	s23 =	simm.s32 $0x0;
	v2 =	vld [tilespmem:s31+$0x0]  }
0x251: {  	[tilespmem:v6+s10+$0x0] =	vst.idx.add.f32.msk $0xffff, v1;
	s26 =	sor.u32 $0xC40, s0;
	s22 =	sor.u32 $0xC50, s0;
	s25 =	simm.s32 $0x42  }
.LBB2_6:
0x252: {  	s0 =	sand.u32 $0xF000, s29;
	s1 =	sand.u32 $0x300, s28;
	s25 =	sadd.s32 $0x2, s25;
	v5 =	vld [tilespmem:s18+$0x4E0]  }
0x253: {  	s31 =	sor.u32 s1, s0;
	p0 =	slt.u32 s25, $0x7E;
	[tilespmem:v4+s10+$0x0] =	vst.idx.add.f32.msk $0xffff, v1  }
0x254: {  	v4 =	vld [tilespmem:s31+$0x80]  }
0x255: {  	v6 =	vld [tilespmem:s31+$0x0]  }
0x256: {  	v7 =	vld [tilespmem:s18+$0x460]  }
0x257: {  	[tilespmem:v3+s11+$0x0] =	vst.idx.add.f32.msk $0xffff, v1  }
0x258: {  	s0 =	sor.u32 $0xC50, s24;
	[tilespmem:v2+s9+$0x0] =	vst.idx.add.f32.msk $0xffff, v1  }
0x259: {  	v2 =	vld [tilespmem:s0+$0x0]  }
0x25a: {  	[tilespmem:v5+s11+$0x0] =	vst.idx.add.f32.msk $0xffff, v1  }
0x25b: {  	v3 =	vld [tilespmem:s18+$0x4F0]  }
0x25c: {  	[tilespmem:v4+s9+$0x0] =	vst.idx.add.f32.msk $0xffff, v1  }
0x25d: {  	v4 =	vld [tilespmem:s31+$0x90]  }
0x25e: {  	[tilespmem:v6+s9+$0x0] =	vst.idx.add.f32.msk $0xffff, v1  }
0x25f: {  	v5 =	vld [tilespmem:s31+$0x10]  }
0x260: {  	[tilespmem:v7+s11+$0x0] =	vst.idx.add.f32.msk $0xffff, v1  }
0x261: {  	s0 =	sor.u32 $0xC60, s24;
	[tilespmem:v2+s10+$0x0] =	vst.idx.add.f32.msk $0xffff, v1  }
0x262: {  	v2 =	vld [tilespmem:s0+$0x0]  }
0x263: {  	[tilespmem:v3+s12+$0x0] =	vst.idx.add.f32.msk $0xffff, v1  }
0x264: {  	v3 =	vld [tilespmem:s18+$0x880]  }
0x265: {  	[tilespmem:v4+s10+$0x0] =	vst.idx.add.f32.msk $0xffff, v1  }
0x266: {  	v4 =	vld [tilespmem:s31+$0xA0]  }
0x267: {  	[tilespmem:v5+s10+$0x0] =	vst.idx.add.f32.msk $0xffff, v1  }
0x268: {  	v5 =	vld [tilespmem:s31+$0x20]  }
0x269: {  	v6 =	vld [tilespmem:s18+$0x470]  }
0x26a: {  	s0 =	sor.u32 $0xC70, s24;
	[tilespmem:v2+s11+$0x0] =	vst.idx.add.f32.msk $0xffff, v1  }
0x26b: {  	v2 =	vld [tilespmem:s0+$0x0]  }
0x26c: {  	[tilespmem:v3+s9+$0x0] =	vst.idx.add.f32.msk $0xffff, v1  }
0x26d: {  	v3 =	vld [tilespmem:s18+$0x890]  }
0x26e: {  	[tilespmem:v4+s11+$0x0] =	vst.idx.add.f32.msk $0xffff, v1  }
0x26f: {  	v4 =	vld [tilespmem:s31+$0xB0]  }
0x270: {  	[tilespmem:v5+s11+$0x0] =	vst.idx.add.f32.msk $0xffff, v1  }
0x271: {  	v5 =	vld [tilespmem:s31+$0x30]  }
0x272: {  	[tilespmem:v6+s12+$0x0] =	vst.idx.add.f32.msk $0xffff, v1  }
0x273: {  	[tilespmem:v2+s12+$0x0] =	vst.idx.add.f32.msk $0xffff, v1  }
0x274: {  	v2 =	vld [tilespmem:s18+$0x800]  }
0x275: {  	[tilespmem:v3+s10+$0x0] =	vst.idx.add.f32.msk $0xffff, v1  }
0x276: {  	v3 =	vld [tilespmem:s18+$0x8A0]  }
0x277: {  	[tilespmem:v4+s12+$0x0] =	vst.idx.add.f32.msk $0xffff, v1  }
0x278: {  	v4 =	vld [tilespmem:s31+$0xC0]  }
0x279: {  	[tilespmem:v5+s12+$0x0] =	vst.idx.add.f32.msk $0xffff, v1  }
0x27a: {  	v5 =	vld [tilespmem:s31+$0x40]  }
0x27b: {  	v6 =	vld [tilespmem:s30+$0x0]  }
0x27c: {  	[tilespmem:v2+s9+$0x0] =	vst.idx.add.f32.msk $0xffff, v1  }
0x27d: {  	v2 =	vld [tilespmem:s18+$0x810]  }
0x27e: {  	[tilespmem:v3+s11+$0x0] =	vst.idx.add.f32.msk $0xffff, v1  }
0x27f: {  	v3 =	vld [tilespmem:s18+$0x8B0]  }
0x280: {  	[tilespmem:v4+s9+$0x0] =	vst.idx.add.f32.msk $0xffff, v1  }
0x281: {  	v4 =	vld [tilespmem:s31+$0xD0]  }
0x282: {  	[tilespmem:v5+s9+$0x0] =	vst.idx.add.f32.msk $0xffff, v1  }
0x283: {  	v5 =	vld [tilespmem:s31+$0x50]  }
0x284: {  	[tilespmem:v6+s12+$0x0] =	vst.idx.add.f32.msk $0xffff, v1  }
0x285: {  	[tilespmem:v2+s10+$0x0] =	vst.idx.add.f32.msk $0xffff, v1  }
0x286: {  	v2 =	vld [tilespmem:s18+$0x820]  }
0x287: {  	[tilespmem:v3+s12+$0x0] =	vst.idx.add.f32.msk $0xffff, v1  }
0x288: {  	v3 =	vld [tilespmem:s18+$0x8C0]  }
0x289: {  	[tilespmem:v4+s10+$0x0] =	vst.idx.add.f32.msk $0xffff, v1  }
0x28a: {  	v4 =	vld [tilespmem:s31+$0xE0]  }
0x28b: {  	[tilespmem:v5+s10+$0x0] =	vst.idx.add.f32.msk $0xffff, v1  }
0x28c: {  	v5 =	vld [tilespmem:s31+$0x60]  }
0x28d: {  	v6 =	vld [tilespmem:s26+$0x0]  }
0x28e: {  	[tilespmem:v2+s11+$0x0] =	vst.idx.add.f32.msk $0xffff, v1  }
0x28f: {  	v2 =	vld [tilespmem:s18+$0x830]  }
0x290: {  	[tilespmem:v3+s9+$0x0] =	vst.idx.add.f32.msk $0xffff, v1  }
0x291: {  	v3 =	vld [tilespmem:s18+$0x8D0]  }
0x292: {  	[tilespmem:v4+s11+$0x0] =	vst.idx.add.f32.msk $0xffff, v1  }
0x293: {  	v4 =	vld [tilespmem:s31+$0xF0]  }
0x294: {  	[tilespmem:v5+s11+$0x0] =	vst.idx.add.f32.msk $0xffff, v1  }
0x295: {  	v5 =	vld [tilespmem:s31+$0x70]  }
0x296: {  	[tilespmem:v6+s9+$0x0] =	vst.idx.add.f32.msk $0xffff, v1  }
0x297: {  	[tilespmem:v2+s12+$0x0] =	vst.idx.add.f32.msk $0xffff, v1  }
0x298: {  	v2 =	vld [tilespmem:s18+$0x840]  }
0x299: {  	[tilespmem:v3+s10+$0x0] =	vst.idx.add.f32.msk $0xffff, v1  }
0x29a: {  	v3 =	vld [tilespmem:s18+$0x8E0]  }
0x29b: {  	[tilespmem:v4+s12+$0x0] =	vst.idx.add.f32.msk $0xffff, v1  }
0x29c: {  	v4 =	vld [tilespmem:s31+$0x480]  }
0x29d: {  	[tilespmem:v5+s12+$0x0] =	vst.idx.add.f32.msk $0xffff, v1  }
0x29e: {  	v5 =	vld [tilespmem:s31+$0x400]  }
0x29f: {  	v6 =	vld [tilespmem:s22+$0x0]  }
0x2a0: {  	[tilespmem:v2+s9+$0x0] =	vst.idx.add.f32.msk $0xffff, v1  }
0x2a1: {  	v2 =	vld [tilespmem:s18+$0x850]  }
0x2a2: {  	[tilespmem:v3+s11+$0x0] =	vst.idx.add.f32.msk $0xffff, v1  }
0x2a3: {  	v3 =	vld [tilespmem:s18+$0x8F0]  }
0x2a4: {  	[tilespmem:v4+s9+$0x0] =	vst.idx.add.f32.msk $0xffff, v1  }
0x2a5: {  	v4 =	vld [tilespmem:s31+$0x490]  }
0x2a6: {  	s21 =	sadd.s32 $0x1, s21;
	[tilespmem:v5+s9+$0x0] =	vst.idx.add.f32.msk $0xffff, v1  }
0x2a7: {  	s0 =	sand.u32 $0x3, s21;
	v5 =	vld [tilespmem:s31+$0x410]  }
0x2a8: {  	s23 =	sadd.s32 $0x400, s23;
	s0 =	sshll.u32 s0, $0x8;
	[tilespmem:v6+s10+$0x0] =	vst.idx.add.f32.msk $0xffff, v1  }
0x2a9: {  	s0 =	sadd.s32 s0, s23;
	[tilespmem:v2+s10+$0x0] =	vst.idx.add.f32.msk $0xffff, v1  }
0x2aa: {  	s2 =	sadd.s32 $0x8000, s0;
	s24 =	sadd.s32 $0x8080, s0;
	v2 =	vld [tilespmem:s18+$0x860]  }
0x2ab: {  	s7 =	sor.u32 $0xC00, s2;
	s0 =	sor.u32 $0xC10, s2;
	s14 =	sor.u32 $0xC00, s24;
	[tilespmem:v3+s12+$0x0] =	vst.idx.add.f32.msk $0xffff, v1  }
0x2ac: {  	s1 =	sor.u32 $0xC20, s2;
	s30 =	sor.u32 $0xC30, s2;
	s26 =	sor.u32 $0xC40, s2;
	v3 =	vld [tilespmem:s14+$0x0]  }
0x2ad: {  	s22 =	sor.u32 $0xC50, s2;
	s14 =	sor.u32 $0xC60, s2;
	s2 =	sor.u32 $0xC70, s2;
	[tilespmem:v4+s10+$0x0] =	vst.idx.add.f32.msk $0xffff, v1  }
0x2ae: {  	v4 =	vld [tilespmem:s31+$0x4A0]  }
0x2af: {  	[tilespmem:v5+s10+$0x0] =	vst.idx.add.f32.msk $0xffff, v1  }
0x2b0: {  	v5 =	vld [tilespmem:s31+$0x420]  }
0x2b1: {  	v6 =	vld [tilespmem:s20+$0x0];
	s20 =	smov.u32 s14  }
0x2b2: {  	[tilespmem:v2+s11+$0x0] =	vst.idx.add.f32.msk $0xffff, v1  }
0x2b3: {  	v2 =	vld [tilespmem:s18+$0x870];
	s18 =	smov.u32 s31  }
0x2b4: {  	s14 =	sor.u32 $0xC10, s24;
	[tilespmem:v3+s9+$0x0] =	vst.idx.add.f32.msk $0xffff, v1  }
0x2b5: {  	v3 =	vld [tilespmem:s14+$0x0]  }
0x2b6: {  	[tilespmem:v4+s11+$0x0] =	vst.idx.add.f32.msk $0xffff, v1  }
0x2b7: {  	v4 =	vld [tilespmem:s18+$0x4B0]  }
0x2b8: {  	[tilespmem:v5+s11+$0x0] =	vst.idx.add.f32.msk $0xffff, v1  }
0x2b9: {  	v5 =	vld [tilespmem:s18+$0x430]  }
0x2ba: {  	[tilespmem:v6+s11+$0x0] =	vst.idx.add.f32.msk $0xffff, v1  }
0x2bb: {  	[tilespmem:v2+s12+$0x0] =	vst.idx.add.f32.msk $0xffff, v1  }
0x2bc: {  	v2 =	vld [tilespmem:s7+$0x0]  }
0x2bd: {  	s7 =	sor.u32 $0xC20, s24;
	[tilespmem:v3+s10+$0x0] =	vst.idx.add.f32.msk $0xffff, v1  }
0x2be: {  	v3 =	vld [tilespmem:s7+$0x0]  }
0x2bf: {  	[tilespmem:v4+s12+$0x0] =	vst.idx.add.f32.msk $0xffff, v1  }
0x2c0: {  	v4 =	vld [tilespmem:s18+$0x4C0]  }
0x2c1: {  	[tilespmem:v5+s12+$0x0] =	vst.idx.add.f32.msk $0xffff, v1  }
0x2c2: {  	v5 =	vld [tilespmem:s18+$0x440]  }
0x2c3: {  	v6 =	vld [tilespmem:s19+$0x0];
	s19 =	smov.u32 s2  }
0x2c4: {  	[tilespmem:v2+s9+$0x0] =	vst.idx.add.f32.msk $0xffff, v1  }
0x2c5: {  	v2 =	vld [tilespmem:s0+$0x0]  }
0x2c6: {  	s0 =	sor.u32 $0xC30, s24;
	[tilespmem:v3+s11+$0x0] =	vst.idx.add.f32.msk $0xffff, v1  }
0x2c7: {  	v7 =	vld [tilespmem:s0+$0x0]  }
0x2c8: {  	[tilespmem:v4+s9+$0x0] =	vst.idx.add.f32.msk $0xffff, v1  }
0x2c9: {  	v8 =	vld [tilespmem:s18+$0x4D0]  }
0x2ca: {  	[tilespmem:v5+s9+$0x0] =	vst.idx.add.f32.msk $0xffff, v1  }
0x2cb: {  	v4 =	vld [tilespmem:s18+$0x450]  }
0x2cc: {  	[tilespmem:v6+s12+$0x0] =	vst.idx.add.f32.msk $0xffff, v1  }
.Ltmp2:
0x2cd: {  	[tilespmem:v2+s10+$0x0] =	vst.idx.add.f32.msk $0xffff, v1;
	(pc) =	sbr.rel @p0 .LBB2_6-.Ltmp2, $4  }
0x2ce: {  	v3 =	vld [tilespmem:s1+$0x0]  }
0x2cf: {  	s0 =	sor.u32 $0xC40, s24;
	[tilespmem:v7+s12+$0x0] =	vst.idx.add.f32.msk $0xffff, v1  }
0x2d0: {  	v2 =	vld [tilespmem:s0+$0x0]  }
0x2d1: {  	s28 =	sadd.s32 $0x100, s28;
	s29 =	sadd.s32 $0x400, s29;
	[tilespmem:v8+s10+$0x0] =	vst.idx.add.f32.msk $0xffff, v1  }
0x2d2: {  	_ =	sdelay $0x2  }
0x2d3: {  	v5 =	vld [tilespmem:s18+$0x4E0]  }
0x2d4: {  	[tilespmem:v4+s10+$0x0] =	vst.idx.add.f32.msk $0xffff, v1  }
0x2d5: {  	v4 =	vld [tilespmem:s18+$0x460];
	_ =	sdelay $0x5  }
0x2d6: {  	[tilespmem:v5+s11+$0x0] =	vst.idx.add.f32.msk $0xffff, v1  }
0x2d7: {  	v5 =	vld [tilespmem:s18+$0x4F0]  }
0x2d8: {  	[tilespmem:v4+s11+$0x0] =	vst.idx.add.f32.msk $0xffff, v1  }
0x2d9: {  	v4 =	vld [tilespmem:s18+$0x470];
	_ =	sdelay $0x5  }
0x2da: {  	[tilespmem:v5+s12+$0x0] =	vst.idx.add.f32.msk $0xffff, v1  }
0x2db: {  	v5 =	vld [tilespmem:s18+$0x880]  }
0x2dc: {  	[tilespmem:v4+s12+$0x0] =	vst.idx.add.f32.msk $0xffff, v1  }
0x2dd: {  	v4 =	vld [tilespmem:s18+$0x800];
	_ =	sdelay $0x5  }
0x2de: {  	[tilespmem:v5+s9+$0x0] =	vst.idx.add.f32.msk $0xffff, v1  }
0x2df: {  	v5 =	vld [tilespmem:s18+$0x890]  }
0x2e0: {  	[tilespmem:v4+s9+$0x0] =	vst.idx.add.f32.msk $0xffff, v1  }
0x2e1: {  	v4 =	vld [tilespmem:s18+$0x810];
	_ =	sdelay $0x5  }
0x2e2: {  	[tilespmem:v5+s10+$0x0] =	vst.idx.add.f32.msk $0xffff, v1  }
0x2e3: {  	v5 =	vld [tilespmem:s18+$0x8A0]  }
0x2e4: {  	[tilespmem:v4+s10+$0x0] =	vst.idx.add.f32.msk $0xffff, v1  }
0x2e5: {  	v4 =	vld [tilespmem:s18+$0x820];
	_ =	sdelay $0x5  }
0x2e6: {  	[tilespmem:v5+s11+$0x0] =	vst.idx.add.f32.msk $0xffff, v1  }
0x2e7: {  	v5 =	vld [tilespmem:s18+$0x8B0]  }
0x2e8: {  	[tilespmem:v4+s11+$0x0] =	vst.idx.add.f32.msk $0xffff, v1  }
0x2e9: {  	v4 =	vld [tilespmem:s18+$0x830];
	_ =	sdelay $0x5  }
0x2ea: {  	[tilespmem:v5+s12+$0x0] =	vst.idx.add.f32.msk $0xffff, v1  }
0x2eb: {  	v5 =	vld [tilespmem:s18+$0x8C0]  }
0x2ec: {  	[tilespmem:v4+s12+$0x0] =	vst.idx.add.f32.msk $0xffff, v1  }
0x2ed: {  	v4 =	vld [tilespmem:s18+$0x840];
	_ =	sdelay $0x5  }
0x2ee: {  	[tilespmem:v5+s9+$0x0] =	vst.idx.add.f32.msk $0xffff, v1  }
0x2ef: {  	v5 =	vld [tilespmem:s18+$0x8D0]  }
0x2f0: {  	[tilespmem:v4+s9+$0x0] =	vst.idx.add.f32.msk $0xffff, v1  }
0x2f1: {  	v4 =	vld [tilespmem:s18+$0x850];
	_ =	sdelay $0x5  }
0x2f2: {  	[tilespmem:v5+s10+$0x0] =	vst.idx.add.f32.msk $0xffff, v1  }
0x2f3: {  	v5 =	vld [tilespmem:s18+$0x8E0]  }
0x2f4: {  	[tilespmem:v4+s10+$0x0] =	vst.idx.add.f32.msk $0xffff, v1  }
0x2f5: {  	v4 =	vld [tilespmem:s18+$0x860];
	_ =	sdelay $0x5  }
0x2f6: {  	[tilespmem:v5+s11+$0x0] =	vst.idx.add.f32.msk $0xffff, v1  }
0x2f7: {  	v5 =	vld [tilespmem:s18+$0x8F0]  }
0x2f8: {  	[tilespmem:v4+s11+$0x0] =	vst.idx.add.f32.msk $0xffff, v1  }
0x2f9: {  	v4 =	vld [tilespmem:s18+$0x870]  }
0x2fa: {  	s0 =	sadd.s32 $0x1, s21  }
0x2fb: {  	s0 =	sand.u32 $0x3, s0  }
0x2fc: {  	s1 =	sadd.s32 $0x400, s23;
	s0 =	sshll.u32 s0, $0x8  }
0x2fd: {  	s1 =	sadd.s32 s0, s1  }
0x2fe: {  	s0 =	sadd.s32 $0x8080, s1  }
0x2ff: {  	s2 =	sor.u32 $0xC00, s0;
	[tilespmem:v5+s12+$0x0] =	vst.idx.add.f32.msk $0xffff, v1  }
0x300: {  	s1 =	sadd.s32 $0x8000, s1;
	v5 =	vld [tilespmem:s2+$0x0]  }
0x301: {  	s23 =	sor.u32 $0xC00, s1;
	[tilespmem:v4+s12+$0x0] =	vst.idx.add.f32.msk $0xffff, v1  }
0x302: {  	v4 =	vld [tilespmem:s23+$0x0];
	_ =	sdelay $0x5  }
0x303: {  	s25 =	sor.u32 $0xC10, s0;
	[tilespmem:v5+s9+$0x0] =	vst.idx.add.f32.msk $0xffff, v1  }
0x304: {  	v5 =	vld [tilespmem:s25+$0x0]  }
0x305: {  	s28 =	sor.u32 $0xC10, s1;
	[tilespmem:v4+s9+$0x0] =	vst.idx.add.f32.msk $0xffff, v1  }
0x306: {  	v4 =	vld [tilespmem:s28+$0x0];
	_ =	sdelay $0x5  }
0x307: {  	s29 =	sor.u32 $0xC20, s0;
	[tilespmem:v5+s10+$0x0] =	vst.idx.add.f32.msk $0xffff, v1  }
0x308: {  	v5 =	vld [tilespmem:s29+$0x0]  }
0x309: {  	s31 =	sor.u32 $0xC20, s1;
	[tilespmem:v4+s10+$0x0] =	vst.idx.add.f32.msk $0xffff, v1  }
0x30a: {  	v4 =	vld [tilespmem:s31+$0x0];
	_ =	sdelay $0x3  }
0x30b: {  	[tilespmem:v3+s11+$0x0] =	vst.idx.add.f32.msk $0xffff, v1  }
0x30c: {  	v3 =	vld [tilespmem:s30+$0x0]  }
0x30d: {  	s7 =	sor.u32 $0xC30, s0;
	[tilespmem:v5+s11+$0x0] =	vst.idx.add.f32.msk $0xffff, v1  }
0x30e: {  	v5 =	vld [tilespmem:s7+$0x0]  }
0x30f: {  	s14 =	sor.u32 $0xC30, s1;
	[tilespmem:v4+s11+$0x0] =	vst.idx.add.f32.msk $0xffff, v1  }
0x310: {  	v4 =	vld [tilespmem:s14+$0x0];
	_ =	sdelay $0x3  }
0x311: {  	[tilespmem:v3+s12+$0x0] =	vst.idx.add.f32.msk $0xffff, v1  }
0x312: {  	v3 =	vld [tilespmem:s26+$0x0]  }
0x313: {  	s15 =	sor.u32 $0xC40, s0;
	[tilespmem:v5+s12+$0x0] =	vst.idx.add.f32.msk $0xffff, v1  }
0x314: {  	v5 =	vld [tilespmem:s15+$0x0]  }
0x315: {  	s18 =	sor.u32 $0xC40, s1;
	[tilespmem:v4+s12+$0x0] =	vst.idx.add.f32.msk $0xffff, v1  }
0x316: {  	v4 =	vld [tilespmem:s18+$0x0];
	_ =	sdelay $0x1  }
0x317: {  	s21 =	sor.u32 $0xC50, s24;
	[tilespmem:v2+s9+$0x0] =	vst.idx.add.f32.msk $0xffff, v1  }
0x318: {  	v2 =	vld [tilespmem:s21+$0x0]  }
0x319: {  	[tilespmem:v3+s9+$0x0] =	vst.idx.add.f32.msk $0xffff, v1  }
0x31a: {  	v3 =	vld [tilespmem:s22+$0x0]  }
0x31b: {  	s23 =	sor.u32 $0xC50, s0;
	[tilespmem:v5+s9+$0x0] =	vst.idx.add.f32.msk $0xffff, v1  }
0x31c: {  	v5 =	vld [tilespmem:s23+$0x0]  }
0x31d: {  	s25 =	sor.u32 $0xC50, s1;
	[tilespmem:v4+s9+$0x0] =	vst.idx.add.f32.msk $0xffff, v1  }
0x31e: {  	v4 =	vld [tilespmem:s25+$0x0];
	_ =	sdelay $0x1  }
0x31f: {  	s26 =	sor.u32 $0xC60, s24;
	[tilespmem:v2+s10+$0x0] =	vst.idx.add.f32.msk $0xffff, v1  }
0x320: {  	v2 =	vld [tilespmem:s26+$0x0]  }
0x321: {  	[tilespmem:v3+s10+$0x0] =	vst.idx.add.f32.msk $0xffff, v1  }
0x322: {  	v3 =	vld [tilespmem:s20+$0x0]  }
0x323: {  	s28 =	sor.u32 $0xC60, s0;
	[tilespmem:v5+s10+$0x0] =	vst.idx.add.f32.msk $0xffff, v1  }
0x324: {  	v5 =	vld [tilespmem:s28+$0x0]  }
0x325: {  	s29 =	sor.u32 $0xC60, s1;
	[tilespmem:v4+s10+$0x0] =	vst.idx.add.f32.msk $0xffff, v1  }
0x326: {  	v4 =	vld [tilespmem:s29+$0x0];
	_ =	sdelay $0x1  }
0x327: {  	s30 =	sor.u32 $0xC70, s24;
	[tilespmem:v2+s11+$0x0] =	vst.idx.add.f32.msk $0xffff, v1  }
0x328: {  	v2 =	vld [tilespmem:s30+$0x0]  }
0x329: {  	[tilespmem:v3+s11+$0x0] =	vst.idx.add.f32.msk $0xffff, v1  }
0x32a: {  	v3 =	vld [tilespmem:s19+$0x0]  }
0x32b: {  	s0 =	sor.u32 $0xC70, s0;
	[tilespmem:v5+s11+$0x0] =	vst.idx.add.f32.msk $0xffff, v1  }
0x32c: {  	v5 =	vld [tilespmem:s0+$0x0]  }
0x32d: {  	s31 =	sor.u32 $0xC70, s1;
	[tilespmem:v4+s11+$0x0] =	vst.idx.add.f32.msk $0xffff, v1  }
0x32e: {  	v4 =	vld [tilespmem:s31+$0x0];
	_ =	sdelay $0x4  }
0x32f: {  	[tilespmem:v2+s12+$0x0] =	vst.idx.add.f32.msk $0xffff, v1  }
0x330: {  	[tilespmem:v3+s12+$0x0] =	vst.idx.add.f32.msk $0xffff, v1  }
0x331: {  	[tilespmem:v5+s12+$0x0] =	vst.idx.add.f32.msk $0xffff, v1  }
0x332: {  	s0 =	simm.s32 $0x0;
	[tilespmem:v4+s12+$0x0] =	vst.idx.add.f32.msk $0xffff, v1  }
0x333: {  	v3 =	vld [tilespmem:s0+$0x10000]  }
0x334: {  	v5 =	vld [tilespmem:s0+$0x11000]  }
0x335: {  	v6 =	vld [tilespmem:s0+$0x12000]  }
0x336: {  	v7 =	vld [tilespmem:s0+$0x13000];
	_ =	sdelay $0x1  }
0x337: {  	s1 =	simm.s32 $0x10  }
0x338: {  	v2 =	vld [tilespmem:s1+$0x10000]  }
0x339: {  	v4 =	vld [tilespmem:s1+$0x11000]  }
0x33a: {  	v8 =	vadd.f32 v5, v3;
	v6 =	vadd.f32 v7, v6;
	v3 =	vld [tilespmem:s1+$0x12000]  }
0x33b: {  	v5 =	vld [tilespmem:s1+$0x13000]  }
0x33c: {  	s18 =	simm.s32 $0x80;
	v6 =	vadd.f32 v6, v8  }
.LBB2_8:
0x33d: {  	s2 =	sshra.s32 s18, $0x2;
	v7 =	vmov v2;
	p0 =	sne.s32 s18, $0x3FC0  }
.Ltmp3:
0x33e: {  	v2 =	vld [tilespmem:s2+$0x10000];
	[tilespmem:s0+$0x10000] =	vst v6;
	v6 =	vmov v4;
	s0 =	smov.u32 s1;
	s1 =	smov.u32 s2;
	(pc) =	sbr.rel @p0 .LBB2_8-.Ltmp3, $4  }
0x33f: {  	v4 =	vld [tilespmem:s1+$0x11000]  }
0x340: {  	s18 =	sadd.s32 $0x40, s18;
	v6 =	vadd.f32 v6, v7;
	v7 =	vadd.f32 v5, v3;
	v3 =	vld [tilespmem:s1+$0x12000]  }
0x341: {  	v5 =	vld [tilespmem:s1+$0x13000]  }
0x342: {  	v6 =	vadd.f32 v7, v6  }
0x343: {  	_ =	sdelay $0x2  }
0x344: {  	v2 =	vadd.f32 v4, v2;
	v3 =	vadd.f32 v5, v3;
	_ =	sdelay $0x1  }
0x345: {  	s17 =	sadd.s32 $0x1, s17;
	v2 =	vadd.f32 v3, v2  }
0x346: {  	[tilespmem:s0+$0x10000] =	vst v6;
	p0 =	sne.s32 s17, s6  }
.Ltmp4:
0x347: {  	s30 =	simm.s32 $0x80;
	s31 =	simm.s32 $0x400;
	[tilespmem:s1+$0x10000] =	vst v2;
	(pc) =	sbr.rel @p0 .LBB2_1-.Ltmp4, $4  }
0x348: {  	[hbm4b:s5+s30] =	stream.strided.scatter [tilespmem:s9], [sflag:$0x3], $0x1000, s31, s30, $0x38;
	[tilespmem:$0x14000] =	vst v63  }
0x349: {  	_ =	swait.ge [sflag:s16], $0x1000  }
0x34a: {  	[sflag:s16] =	ssyncset.done $0x0  }
0x34b: {  	[sflag:s16] =	ssyncadd.s32 $0xFFFFF000  }
0x34c: {  	_ =	sfence.sel $0x180000  }
0x34d: {  	[bflag:$0x0] =	sbarrier.arrive $0xFFFF  }
0x34e: {  	_ =	strace $0x90000047  }
0x34f: {  	s0 =	stileid.u32;
	[bflag:$0x2] =	sbarrier.arrive $0xFFFF  }
0x350: {  	p0 =	sne.s32 s0, $0x0;
	s0 =	rddreg [dreg:$0x1]  }
0x351: {  	s0 =	sadd.s32 @!p0 $0x100000, s0  }
0x352: {  	[sflag:s0] =	ssyncadd.tile.s32 @!p0 $0x1;
	_ =	shalt  }
.Lfunc_end2:
_tile_overlayer_lowered:
.L_overlay_start_2:
0x353: {  	(tag) =	ssettag $0x2  }
0x354: {  	s0 =	rddreg [dreg:$0x0];
	s2 =	stileid.u32  }
0x355: {  	s1 =	rddreg [dreg:$0x1];
	p0 =	sne.s32 s2, $0x0  }
0x356: {  	s3 =	rddreg [dreg:$0x2];
	[bflag:$0x3] =	sbarrier.arrive $0xFFFF;
	s2 =	simm.s32 @!p0 $0x1C03  }
0x357: {  	[timem:s3], [sflag:s2] =	dma.local @!p0 [hbm:s0], s1  }
0x358: {  	s0 =	simm.s32 @!p0 $0x3  }
0x359: {  	_ =	swait.ge @!p0 [sflag:s0], s1  }
0x35a: {  	s1 =	ssub.s32 @!p0 $0x0, s1;
	[sflag:s0] =	ssyncset.done @!p0 $0x0  }
0x35b: {  	[sflag:s0] =	ssyncadd.s32 @!p0 s1  }
0x35c: {  	[bflag:$0x3] =	sbarrier.arrive $0xFFFF  }
0x35d: {  	_ =	shalt  }

</sc_bundles>
